<compile_context>
chip_gen: v7x
topology: tpu7x:2x2x1
jax: 0.10.2.dev20260603
libtpu: 0.0.44.dev20260713+nightly
codegen_flags: <defaults>
</compile_context>

<pallas_src>
import jax
import jax.numpy as jnp
from jax import lax
from jax.experimental import pallas as pl
from jax.experimental.pallas import tpu as pltpu
from jax.experimental.pallas import tpu_sc as plsc

BATCH = 16384
NUM_NODES = 1000000
NSUB = 16
RANGE = NUM_NODES // NSUB
RANGE_PAD = 62512
LIST_PAD = BATCH + 16
NU_LEN = BATCH + 256
MERGE_BLK = 131072


def _lane_iota():
    return lax.iota(jnp.int32, 16)


def _s0(v):
    return jnp.squeeze(lax.slice(v, (0,), (1,)))


def _sc_body(dst_hbm, times_hbm, nu_hbm,
             dst_v, times_v, tloc, mli, mtv, cnt_v, allcnt_v,
             zero_v, sem_in, sem_out, counts_sh, nu_sh):
    compact = mtv
    sid = lax.axis_index("s")
    base = sid * RANGE
    lanes = _lane_iota()

    cp_d = pltpu.make_async_copy(dst_hbm, dst_v, sem_in)
    cp_t = pltpu.make_async_copy(times_hbm, times_v, sem_in)
    cp_d.start()
    cp_t.start()

    neg1 = jnp.full((16,), -1.0, jnp.float32)

    def init_body(i, _):
        tloc[pl.ds(i * 16, 16)] = neg1
        return 0

    lax.fori_loop(0, RANGE_PAD // 16, init_body, 0, unroll=8)

    cp_d.wait()
    cp_t.wait()

    def filt(i, off):
        d = dst_v[pl.ds(i * 16, 16)]
        t = times_v[pl.ds(i * 16, 16)]
        li = d - base
        mine = (li >= 0) & (li < RANGE)
        plsc.store_compressed(mli.at[pl.ds(off, 16)], li, mask=mine)
        plsc.store_compressed(mtv.at[pl.ds(off, 16)], t, mask=mine)
        return off + _s0(plsc.all_reduce_population_count(mine))

    mcount = lax.fori_loop(0, BATCH // 16, filt, jnp.int32(0), unroll=8)

    nv = (mcount + 15) // 16

    def rmw_outer(i, _):
        li = mli[pl.ds(i * 16, 16)]
        t = mtv[pl.ds(i * 16, 16)]
        valid = (i * 16 + lanes) < mcount
        lic = jnp.clip(li, 0, RANGE - 1)
        cnt, _ = plsc.scan_count(li, valid)
        cmin = jnp.min(jnp.where(valid, cnt, 1 << 30))
        cmax = jnp.max(jnp.where(valid, cnt, -(1 << 30)))
        npass = jnp.maximum(cmax - cmin + 1, 0)

        def rmw(c, _):
            sub = valid & (cnt == cmin + c)
            cur = plsc.load_gather(tloc, [lic], mask=sub)
            want = sub & (t > cur)
            plsc.store_scatter(tloc, [lic], t, mask=want)
            return 0

        lax.fori_loop(0, npass, rmw, 0)
        return 0

    lax.fori_loop(0, nv, rmw_outer, 0)

    def comp(i, off):
        v = tloc[pl.ds(i * 16, 16)]
        m = v >= 0.0
        plsc.store_compressed(compact.at[pl.ds(off, 16)], v, mask=m)
        return off + _s0(plsc.all_reduce_population_count(m))

    kw = lax.fori_loop(0, RANGE_PAD // 16, comp, jnp.int32(0), unroll=16)

    cnt_v[:] = jnp.full((16,), 0, jnp.int32) + kw
    pltpu.sync_copy(cnt_v, counts_sh.at[sid])
    plsc.subcore_barrier()
    pltpu.sync_copy(counts_sh, allcnt_v)

    kvec = plsc.load_gather(allcnt_v, [lanes, lanes * 0])
    off_w = jnp.sum(jnp.where(lanes < sid, kvec, 0))
    k_tot = jnp.sum(kvec)

    nchunks = (kw + 15) // 16

    def val_copy(c):
        idx = off_w + c * 16 + lanes
        valid = (c * 16 + lanes) < kw
        idx = jnp.where(valid, idx, BATCH + lanes)
        return pltpu.make_async_copy(compact.at[pl.ds(c * 16, 16)],
                                     nu_sh.at[idx], sem_out)

    def fire_vals(c, _):
        val_copy(c).start()
        return 0

    lax.fori_loop(0, nchunks, fire_vals, 0)

    def drain_vals(c, _):
        val_copy(c).wait()
        return 0

    lax.fori_loop(0, nchunks, drain_vals, 0)

    zero_v[:] = jnp.zeros((16,), jnp.float32)
    tail_len = NU_LEN - k_tot
    share = (tail_len + NSUB - 1) // NSUB
    t0 = k_tot + sid * share
    t1 = jnp.minimum(t0 + share, NU_LEN)
    ztchunks = jnp.maximum((t1 - t0 + 15) // 16, 0)

    def tail_copy(c):
        idx = t0 + c * 16 + lanes
        valid = idx < t1
        idx = jnp.where(valid, idx, BATCH + lanes)
        return pltpu.make_async_copy(zero_v, nu_sh.at[idx], sem_out)

    def fire_tail(c, _):
        tail_copy(c).start()
        return 0

    lax.fori_loop(0, ztchunks, fire_tail, 0)

    def drain_tail(c, _):
        tail_copy(c).wait()
        return 0

    lax.fori_loop(0, ztchunks, drain_tail, 0)

    plsc.subcore_barrier()
    sl = NU_LEN // NSUB
    pltpu.sync_copy(nu_sh.at[pl.ds(sid * sl, sl)],
                    nu_hbm.at[pl.ds(sid * sl, sl)])


def _sc_dedup_segmax(dst_ids, times):
    mesh = plsc.VectorSubcoreMesh(core_axis_name="c", subcore_axis_name="s",
                                  num_cores=1)
    f = pl.kernel(
        _sc_body,
        mesh=mesh,
        compiler_params=pltpu.CompilerParams(needs_layout_passes=False,
                                             use_tc_tiling_on_sc=False),
        out_type=jax.ShapeDtypeStruct((NU_LEN,), jnp.float32),
        scratch_types=[
            pltpu.VMEM((BATCH,), jnp.int32),
            pltpu.VMEM((BATCH,), jnp.float32),
            pltpu.VMEM((RANGE_PAD,), jnp.float32),
            pltpu.VMEM((LIST_PAD,), jnp.int32),
            pltpu.VMEM((LIST_PAD,), jnp.float32),
            pltpu.VMEM((16,), jnp.int32),
            pltpu.VMEM((16, 16), jnp.int32),
            pltpu.VMEM((16,), jnp.float32),
            pltpu.SemaphoreType.DMA,
            pltpu.SemaphoreType.DMA,
            pltpu.VMEM_SHARED((16, 16), jnp.int32),
            pltpu.VMEM_SHARED((NU_LEN,), jnp.float32),
        ],
    )
    return f(dst_ids, times)


def _merge_body(last_ref, nu_ref, out_ref):
    out_ref[:] = jnp.maximum(last_ref[:], 0.0)

    @pl.when(pl.program_id(0) == 0)
    def _():
        out_ref[0:BATCH] = jnp.maximum(out_ref[0:BATCH], nu_ref[:])


def _merge(last_update, new_up):
    n = last_update.shape[0]
    return pl.pallas_call(
        _merge_body,
        grid=(pl.cdiv(n, MERGE_BLK),),
        in_specs=[
            pl.BlockSpec((MERGE_BLK,), lambda i: (i,)),
            pl.BlockSpec((BATCH,), lambda i: (0,)),
        ],
        out_specs=pl.BlockSpec((MERGE_BLK,), lambda i: (i,)),
        out_shape=jax.ShapeDtypeStruct((n,), jnp.float32),
    )(last_update, new_up)


def kernel(last_update, dst_ids, times):
    nu = _sc_dedup_segmax(dst_ids, times)
    return _merge(last_update, nu)

# --- scband reference (transcript-rebuilt; emitter-appended) ---
"""Pipeline reference for scband-last-update-store-34935263986389 (READ-ONLY COPY).

The authoritative reference and input builder live on the scoring server;
editing this copy changes nothing except your own understanding.
"""

import jax, jax.numpy as jnp
import numpy as np

NUM_NODES = 1000000
BATCH = 16384

def setup_inputs(seed: int = 0) -> dict:
    key = jax.random.key(seed)
    k1, k2, k3 = jax.random.split(key, 3)
    dst_ids = jax.random.randint(k1, (BATCH,), 0, NUM_NODES, dtype=jnp.int32)
    times = jax.random.uniform(k2, (BATCH,), dtype=jnp.float32) * 1000.0
    # buffer 'last_update' materialized as an input (torch registers it as a buffer)
    last_update = jax.random.uniform(k3, (NUM_NODES,), dtype=jnp.float32) * 500.0
    return {"last_update": last_update, "dst_ids": dst_ids, "times": times}

def reference(last_update, dst_ids, times):
    # Faithful translation of LastUpdateStore.set_last_update:
    #   unique, index = dst_ids.unique(return_inverse=True)
    #   new_update = scatter(src=times, index=index, dim_size=num_nodes, reduce='max')
    #   last_update = maximum(last_update, new_update)
    num_nodes = last_update.shape[0]
    unique, index = jnp.unique(dst_ids, return_inverse=True,
                               size=dst_ids.shape[0], fill_value=0)
    new_update = jax.ops.segment_max(times, index, num_segments=num_nodes)
    # torch-style scatter-max initializes empty slots to 0, jax uses -inf; match torch
    new_update = jnp.where(jnp.isneginf(new_update), 0.0, new_update)
    updated = jnp.maximum(last_update, new_update)
    return updated

if __name__ == "__main__":
    import jax
    _d = setup_inputs()
    print(jax.jit(kernel)(*tuple(_d.values())))

</pallas_src>

<mosaic_0001>
#map = affine_map<(d0, d1) -> (0)>
module attributes {stable_mosaic.version = 14 : i64} {
  func.func @_sc_body(%arg0: i32, %arg1: i32, %arg2: memref<16384xi32, #tpu.memory_space<hbm>>, %arg3: memref<16384xf32, #tpu.memory_space<hbm>>, %arg4: memref<16640xf32, #tpu.memory_space<hbm>>, %arg5: memref<16384xi32, #tpu.memory_space<vmem>>, %arg6: memref<16384xf32, #tpu.memory_space<vmem>>, %arg7: memref<62512xf32, #tpu.memory_space<vmem>>, %arg8: memref<16400xi32, #tpu.memory_space<vmem>>, %arg9: memref<16400xf32, #tpu.memory_space<vmem>>, %arg10: memref<16xi32, #tpu.memory_space<vmem>>, %arg11: memref<16x16xi32, #tpu.memory_space<vmem>>, %arg12: memref<16xf32, #tpu.memory_space<vmem>>, %arg13: memref<!tpu.dma_semaphore, #tpu.memory_space<semaphore_mem>>, %arg14: memref<!tpu.dma_semaphore, #tpu.memory_space<semaphore_mem>>, %arg15: memref<16x16xi32, #tpu.memory_space<vmem_shared>>, %arg16: memref<16640xf32, #tpu.memory_space<vmem_shared>>) attributes {dimension_semantics = [#tpu.dimension_semantics<core_parallel>, #tpu.dimension_semantics<subcore_parallel>], iteration_bounds = array<i64: 1, 16>, scalar_prefetch = 0 : i64, scratch_operands = 12 : i64, tpu.core_type = #tpu.core_type<sc_vector_subcore>, window_params = [{transform_indices = #map}, {transform_indices = #map}, {transform_indices = #map}]} {
    %mul3A = arith.constant 62500 : i32
    %mul3A_0 = arith.muli %arg1, %mul3A : i32
    %iota3A = tpu.iota {dimensions = array<i32: 0>} : vector<16xi32>
    tpu.enqueue_dma source(%arg2 : memref<16384xi32, #tpu.memory_space<hbm>>) target(%arg5 : memref<16384xi32, #tpu.memory_space<vmem>>) target_semaphore(%arg13 : memref<!tpu.dma_semaphore, #tpu.memory_space<semaphore_mem>>)
    tpu.enqueue_dma source(%arg3 : memref<16384xf32, #tpu.memory_space<hbm>>) target(%arg6 : memref<16384xf32, #tpu.memory_space<vmem>>) target_semaphore(%arg13 : memref<!tpu.dma_semaphore, #tpu.memory_space<semaphore_mem>>)
    %broadcast_in_dim3A = arith.constant -1.000000e+00 : f32
    %broadcast_in_dim3A_1 = vector.broadcast %broadcast_in_dim3A : f32 to vector<16xf32>
    %scan3A = arith.constant 0 : i32
    %scan3A_2 = arith.constant 0 : i32
    %scan3A_3 = arith.constant 3904 : i32
    %scan3A_4 = arith.addi %scan3A_2, %scan3A_3 : i32
    %scan3A_5 = arith.constant 8 : i32
    %scan3A_6 = scf.for %scan3A_275 = %scan3A_2 to %scan3A_4 step %scan3A_5 iter_args(%scan3A_276 = %scan3A) -> (i32)  : i32 {
      %mul3A_277 = arith.constant 16 : i32
      %mul3A_278 = arith.muli %scan3A_275, %mul3A_277 : i32
      %swap3A_279 = arith.index_cast %mul3A_278 : i32 to index
      %swap3A_280 = tpu.vector_load %arg7[%swap3A_279] {strides = array<i32>} : memref<62512xf32, #tpu.memory_space<vmem>>, vector<16xf32>,
      tpu.vector_store %arg7[%swap3A_279], %broadcast_in_dim3A_1 {strides = array<i32>} : memref<62512xf32, #tpu.memory_space<vmem>>, vector<16xf32>,
      %scan3A_281 = arith.constant 0 : i32
      %scan3A_282 = arith.constant 1 : i32
      %scan3A_283 = arith.addi %scan3A_275, %scan3A_282 : i32
      %mul3A_284 = arith.constant 16 : i32
      %mul3A_285 = arith.muli %scan3A_283, %mul3A_284 : i32
      %swap3A_286 = arith.index_cast %mul3A_285 : i32 to index
      %swap3A_287 = tpu.vector_load %arg7[%swap3A_286] {strides = array<i32>} : memref<62512xf32, #tpu.memory_space<vmem>>, vector<16xf32>,
      tpu.vector_store %arg7[%swap3A_286], %broadcast_in_dim3A_1 {strides = array<i32>} : memref<62512xf32, #tpu.memory_space<vmem>>, vector<16xf32>,
      %scan3A_288 = arith.constant 0 : i32
      %scan3A_289 = arith.constant 2 : i32
      %scan3A_290 = arith.addi %scan3A_275, %scan3A_289 : i32
      %mul3A_291 = arith.constant 16 : i32
      %mul3A_292 = arith.muli %scan3A_290, %mul3A_291 : i32
      %swap3A_293 = arith.index_cast %mul3A_292 : i32 to index
      %swap3A_294 = tpu.vector_load %arg7[%swap3A_293] {strides = array<i32>} : memref<62512xf32, #tpu.memory_space<vmem>>, vector<16xf32>,
      tpu.vector_store %arg7[%swap3A_293], %broadcast_in_dim3A_1 {strides = array<i32>} : memref<62512xf32, #tpu.memory_space<vmem>>, vector<16xf32>,
      %scan3A_295 = arith.constant 0 : i32
      %scan3A_296 = arith.constant 3 : i32
      %scan3A_297 = arith.addi %scan3A_275, %scan3A_296 : i32
      %mul3A_298 = arith.constant 16 : i32
      %mul3A_299 = arith.muli %scan3A_297, %mul3A_298 : i32
      %swap3A_300 = arith.index_cast %mul3A_299 : i32 to index
      %swap3A_301 = tpu.vector_load %arg7[%swap3A_300] {strides = array<i32>} : memref<62512xf32, #tpu.memory_space<vmem>>, vector<16xf32>,
      tpu.vector_store %arg7[%swap3A_300], %broadcast_in_dim3A_1 {strides = array<i32>} : memref<62512xf32, #tpu.memory_space<vmem>>, vector<16xf32>,
      %scan3A_302 = arith.constant 0 : i32
      %scan3A_303 = arith.constant 4 : i32
      %scan3A_304 = arith.addi %scan3A_275, %scan3A_303 : i32
      %mul3A_305 = arith.constant 16 : i32
      %mul3A_306 = arith.muli %scan3A_304, %mul3A_305 : i32
      %swap3A_307 = arith.index_cast %mul3A_306 : i32 to index
      %swap3A_308 = tpu.vector_load %arg7[%swap3A_307] {strides = array<i32>} : memref<62512xf32, #tpu.memory_space<vmem>>, vector<16xf32>,
      tpu.vector_store %arg7[%swap3A_307], %broadcast_in_dim3A_1 {strides = array<i32>} : memref<62512xf32, #tpu.memory_space<vmem>>, vector<16xf32>,
      %scan3A_309 = arith.constant 0 : i32
      %scan3A_310 = arith.constant 5 : i32
      %scan3A_311 = arith.addi %scan3A_275, %scan3A_310 : i32
      %mul3A_312 = arith.constant 16 : i32
      %mul3A_313 = arith.muli %scan3A_311, %mul3A_312 : i32
      %swap3A_314 = arith.index_cast %mul3A_313 : i32 to index
      %swap3A_315 = tpu.vector_load %arg7[%swap3A_314] {strides = array<i32>} : memref<62512xf32, #tpu.memory_space<vmem>>, vector<16xf32>,
      tpu.vector_store %arg7[%swap3A_314], %broadcast_in_dim3A_1 {strides = array<i32>} : memref<62512xf32, #tpu.memory_space<vmem>>, vector<16xf32>,
      %scan3A_316 = arith.constant 0 : i32
      %scan3A_317 = arith.constant 6 : i32
      %scan3A_318 = arith.addi %scan3A_275, %scan3A_317 : i32
      %mul3A_319 = arith.constant 16 : i32
      %mul3A_320 = arith.muli %scan3A_318, %mul3A_319 : i32
      %swap3A_321 = arith.index_cast %mul3A_320 : i32 to index
      %swap3A_322 = tpu.vector_load %arg7[%swap3A_321] {strides = array<i32>} : memref<62512xf32, #tpu.memory_space<vmem>>, vector<16xf32>,
      tpu.vector_store %arg7[%swap3A_321], %broadcast_in_dim3A_1 {strides = array<i32>} : memref<62512xf32, #tpu.memory_space<vmem>>, vector<16xf32>,
      %scan3A_323 = arith.constant 0 : i32
      %scan3A_324 = arith.constant 7 : i32
      %scan3A_325 = arith.addi %scan3A_275, %scan3A_324 : i32
      %mul3A_326 = arith.constant 16 : i32
      %mul3A_327 = arith.muli %scan3A_325, %mul3A_326 : i32
      %swap3A_328 = arith.index_cast %mul3A_327 : i32 to index
      %swap3A_329 = tpu.vector_load %arg7[%swap3A_328] {strides = array<i32>} : memref<62512xf32, #tpu.memory_space<vmem>>, vector<16xf32>,
      tpu.vector_store %arg7[%swap3A_328], %broadcast_in_dim3A_1 {strides = array<i32>} : memref<62512xf32, #tpu.memory_space<vmem>>, vector<16xf32>,
      %scan3A_330 = arith.constant 0 : i32
      scf.yield %scan3A_330 : i32
    }
    %scan3A_7 = arith.constant 3904 : i32
    %scan3A_8 = arith.addi %scan3A_2, %scan3A_7 : i32
    %mul3A_9 = arith.constant 16 : i32
    %mul3A_10 = arith.muli %scan3A_8, %mul3A_9 : i32
    %swap3A = arith.index_cast %mul3A_10 : i32 to index
    %swap3A_11 = tpu.vector_load %arg7[%swap3A] {strides = array<i32>} : memref<62512xf32, #tpu.memory_space<vmem>>, vector<16xf32>,
    tpu.vector_store %arg7[%swap3A], %broadcast_in_dim3A_1 {strides = array<i32>} : memref<62512xf32, #tpu.memory_space<vmem>>, vector<16xf32>,
    %scan3A_12 = arith.constant 0 : i32
    %scan3A_13 = arith.constant 3905 : i32
    %scan3A_14 = arith.addi %scan3A_2, %scan3A_13 : i32
    %mul3A_15 = arith.constant 16 : i32
    %mul3A_16 = arith.muli %scan3A_14, %mul3A_15 : i32
    %swap3A_17 = arith.index_cast %mul3A_16 : i32 to index
    %swap3A_18 = tpu.vector_load %arg7[%swap3A_17] {strides = array<i32>} : memref<62512xf32, #tpu.memory_space<vmem>>, vector<16xf32>,
    tpu.vector_store %arg7[%swap3A_17], %broadcast_in_dim3A_1 {strides = array<i32>} : memref<62512xf32, #tpu.memory_space<vmem>>, vector<16xf32>,
    %scan3A_19 = arith.constant 0 : i32
    %scan3A_20 = arith.constant 3906 : i32
    %scan3A_21 = arith.addi %scan3A_2, %scan3A_20 : i32
    %mul3A_22 = arith.constant 16 : i32
    %mul3A_23 = arith.muli %scan3A_21, %mul3A_22 : i32
    %swap3A_24 = arith.index_cast %mul3A_23 : i32 to index
    %swap3A_25 = tpu.vector_load %arg7[%swap3A_24] {strides = array<i32>} : memref<62512xf32, #tpu.memory_space<vmem>>, vector<16xf32>,
    tpu.vector_store %arg7[%swap3A_24], %broadcast_in_dim3A_1 {strides = array<i32>} : memref<62512xf32, #tpu.memory_space<vmem>>, vector<16xf32>,
    %scan3A_26 = arith.constant 0 : i32
    %scan3A_27 = arith.constant 3907 : i32
    tpu.wait_dma2 semaphore(%arg13 : memref<!tpu.dma_semaphore, #tpu.memory_space<semaphore_mem>>) src(%arg2 : memref<16384xi32, #tpu.memory_space<hbm>>) dst(%arg5 : memref<16384xi32, #tpu.memory_space<vmem>>)
    tpu.wait_dma2 semaphore(%arg13 : memref<!tpu.dma_semaphore, #tpu.memory_space<semaphore_mem>>) src(%arg3 : memref<16384xf32, #tpu.memory_space<hbm>>) dst(%arg6 : memref<16384xf32, #tpu.memory_space<vmem>>)
    %scan3A_28 = arith.constant 0 : i32
    %scan3A_29 = arith.constant 0 : i32
    %scan3A_30 = arith.constant 1024 : i32
    %scan3A_31 = arith.addi %scan3A_29, %scan3A_30 : i32
    %scan3A_32 = arith.constant 8 : i32
    %scan3A_33 = scf.for %scan3A_275 = %scan3A_29 to %scan3A_31 step %scan3A_32 iter_args(%scan3A_276 = %scan3A_28) -> (i32)  : i32 {
      %mul3A_277 = arith.constant 16 : i32
      %mul3A_278 = arith.muli %scan3A_275, %mul3A_277 : i32
      %get3A_279 = arith.index_cast %mul3A_278 : i32 to index
      %get3A_280 = tpu.vector_load %arg5[%get3A_279] {strides = array<i32>} : memref<16384xi32, #tpu.memory_space<vmem>>, vector<16xi32>,
      %mul3A_281 = arith.constant 16 : i32
      %mul3A_282 = arith.muli %scan3A_275, %mul3A_281 : i32
      %get3A_283 = arith.index_cast %mul3A_282 : i32 to index
      %get3A_284 = tpu.vector_load %arg6[%get3A_283] {strides = array<i32>} : memref<16384xf32, #tpu.memory_space<vmem>>, vector<16xf32>,
      %sub3A_285 = vector.broadcast %mul3A_0 : i32 to vector<16xi32>
      %sub3A_286 = arith.subi %get3A_280, %sub3A_285 : vector<16xi32>
      %ge3A_287 = arith.constant 0 : i32
      %ge3A_288 = vector.broadcast %ge3A_287 : i32 to vector<16xi32>
      %ge3A_289 = arith.cmpi sge, %sub3A_286, %ge3A_288 : vector<16xi32>
      %lt3A_290 = arith.constant 62500 : i32
      %lt3A_291 = vector.broadcast %lt3A_290 : i32 to vector<16xi32>
      %lt3A_292 = arith.cmpi slt, %sub3A_286, %lt3A_291 : vector<16xi32>
      %and3A_293 = arith.andi %ge3A_289, %lt3A_292 : vector<16xi1>
      %swap3A_294 = arith.index_cast %scan3A_276 : i32 to index
      %swap3A_295 = tpu.vector_load %arg8[%swap3A_294] masked %and3A_293 {strides = array<i32>} : memref<16400xi32, #tpu.memory_space<vmem>>, vector<16xi32>, vector<16xi1>
      tpu.vector_store %arg8[%swap3A_294], %sub3A_286 masked %and3A_293 {strides = array<i32>} : memref<16400xi32, #tpu.memory_space<vmem>>, vector<16xi32>, vector<16xi1>
      %swap3A_296 = arith.index_cast %scan3A_276 : i32 to index
      %swap3A_297 = tpu.vector_load %arg9[%swap3A_296] masked %and3A_293 {strides = array<i32>} : memref<16400xf32, #tpu.memory_space<vmem>>, vector<16xf32>, vector<16xi1>
      tpu.vector_store %arg9[%swap3A_296], %get3A_284 masked %and3A_293 {strides = array<i32>} : memref<16400xf32, #tpu.memory_space<vmem>>, vector<16xf32>, vector<16xi1>
      %all_reduce_population_count3A_298 = tpu.all_reduce %and3A_293 {dim = 0 : i64, kind = #tpu.reduction_kind<sum>} : vector<16xi1> -> vector<16xi32>
      %slice3A_299 = vector.extract_strided_slice %all_reduce_population_count3A_298 {offsets = [0], sizes = [1], strides = [1]} : vector<16xi32> to vector<1xi32>
      %squeeze3A_300 = vector.extract %slice3A_299[0] : i32 from vector<1xi32>
      %add3A_301 = arith.addi %scan3A_276, %squeeze3A_300 : i32
      %scan3A_302 = arith.constant 1 : i32
      %scan3A_303 = arith.addi %scan3A_275, %scan3A_302 : i32
      %mul3A_304 = arith.constant 16 : i32
      %mul3A_305 = arith.muli %scan3A_303, %mul3A_304 : i32
      %get3A_306 = arith.index_cast %mul3A_305 : i32 to index
      %get3A_307 = tpu.vector_load %arg5[%get3A_306] {strides = array<i32>} : memref<16384xi32, #tpu.memory_space<vmem>>, vector<16xi32>,
      %mul3A_308 = arith.constant 16 : i32
      %mul3A_309 = arith.muli %scan3A_303, %mul3A_308 : i32
      %get3A_310 = arith.index_cast %mul3A_309 : i32 to index
      %get3A_311 = tpu.vector_load %arg6[%get3A_310] {strides = array<i32>} : memref<16384xf32, #tpu.memory_space<vmem>>, vector<16xf32>,
      %sub3A_312 = vector.broadcast %mul3A_0 : i32 to vector<16xi32>
      %sub3A_313 = arith.subi %get3A_307, %sub3A_312 : vector<16xi32>
      %ge3A_314 = arith.constant 0 : i32
      %ge3A_315 = vector.broadcast %ge3A_314 : i32 to vector<16xi32>
      %ge3A_316 = arith.cmpi sge, %sub3A_313, %ge3A_315 : vector<16xi32>
      %lt3A_317 = arith.constant 62500 : i32
      %lt3A_318 = vector.broadcast %lt3A_317 : i32 to vector<16xi32>
      %lt3A_319 = arith.cmpi slt, %sub3A_313, %lt3A_318 : vector<16xi32>
      %and3A_320 = arith.andi %ge3A_316, %lt3A_319 : vector<16xi1>
      %swap3A_321 = arith.index_cast %add3A_301 : i32 to index
      %swap3A_322 = tpu.vector_load %arg8[%swap3A_321] masked %and3A_320 {strides = array<i32>} : memref<16400xi32, #tpu.memory_space<vmem>>, vector<16xi32>, vector<16xi1>
      tpu.vector_store %arg8[%swap3A_321], %sub3A_313 masked %and3A_320 {strides = array<i32>} : memref<16400xi32, #tpu.memory_space<vmem>>, vector<16xi32>, vector<16xi1>
      %swap3A_323 = arith.index_cast %add3A_301 : i32 to index
      %swap3A_324 = tpu.vector_load %arg9[%swap3A_323] masked %and3A_320 {strides = array<i32>} : memref<16400xf32, #tpu.memory_space<vmem>>, vector<16xf32>, vector<16xi1>
      tpu.vector_store %arg9[%swap3A_323], %get3A_311 masked %and3A_320 {strides = array<i32>} : memref<16400xf32, #tpu.memory_space<vmem>>, vector<16xf32>, vector<16xi1>
      %all_reduce_population_count3A_325 = tpu.all_reduce %and3A_320 {dim = 0 : i64, kind = #tpu.reduction_kind<sum>} : vector<16xi1> -> vector<16xi32>
      %slice3A_326 = vector.extract_strided_slice %all_reduce_population_count3A_325 {offsets = [0], sizes = [1], strides = [1]} : vector<16xi32> to vector<1xi32>
      %squeeze3A_327 = vector.extract %slice3A_326[0] : i32 from vector<1xi32>
      %add3A_328 = arith.addi %add3A_301, %squeeze3A_327 : i32
      %scan3A_329 = arith.constant 2 : i32
      %scan3A_330 = arith.addi %scan3A_275, %scan3A_329 : i32
      %mul3A_331 = arith.constant 16 : i32
      %mul3A_332 = arith.muli %scan3A_330, %mul3A_331 : i32
      %get3A_333 = arith.index_cast %mul3A_332 : i32 to index
      %get3A_334 = tpu.vector_load %arg5[%get3A_333] {strides = array<i32>} : memref<16384xi32, #tpu.memory_space<vmem>>, vector<16xi32>,
      %mul3A_335 = arith.constant 16 : i32
      %mul3A_336 = arith.muli %scan3A_330, %mul3A_335 : i32
      %get3A_337 = arith.index_cast %mul3A_336 : i32 to index
      %get3A_338 = tpu.vector_load %arg6[%get3A_337] {strides = array<i32>} : memref<16384xf32, #tpu.memory_space<vmem>>, vector<16xf32>,
      %sub3A_339 = vector.broadcast %mul3A_0 : i32 to vector<16xi32>
      %sub3A_340 = arith.subi %get3A_334, %sub3A_339 : vector<16xi32>
      %ge3A_341 = arith.constant 0 : i32
      %ge3A_342 = vector.broadcast %ge3A_341 : i32 to vector<16xi32>
      %ge3A_343 = arith.cmpi sge, %sub3A_340, %ge3A_342 : vector<16xi32>
      %lt3A_344 = arith.constant 62500 : i32
      %lt3A_345 = vector.broadcast %lt3A_344 : i32 to vector<16xi32>
      %lt3A_346 = arith.cmpi slt, %sub3A_340, %lt3A_345 : vector<16xi32>
      %and3A_347 = arith.andi %ge3A_343, %lt3A_346 : vector<16xi1>
      %swap3A_348 = arith.index_cast %add3A_328 : i32 to index
      %swap3A_349 = tpu.vector_load %arg8[%swap3A_348] masked %and3A_347 {strides = array<i32>} : memref<16400xi32, #tpu.memory_space<vmem>>, vector<16xi32>, vector<16xi1>
      tpu.vector_store %arg8[%swap3A_348], %sub3A_340 masked %and3A_347 {strides = array<i32>} : memref<16400xi32, #tpu.memory_space<vmem>>, vector<16xi32>, vector<16xi1>
      %swap3A_350 = arith.index_cast %add3A_328 : i32 to index
      %swap3A_351 = tpu.vector_load %arg9[%swap3A_350] masked %and3A_347 {strides = array<i32>} : memref<16400xf32, #tpu.memory_space<vmem>>, vector<16xf32>, vector<16xi1>
      tpu.vector_store %arg9[%swap3A_350], %get3A_338 masked %and3A_347 {strides = array<i32>} : memref<16400xf32, #tpu.memory_space<vmem>>, vector<16xf32>, vector<16xi1>
      %all_reduce_population_count3A_352 = tpu.all_reduce %and3A_347 {dim = 0 : i64, kind = #tpu.reduction_kind<sum>} : vector<16xi1> -> vector<16xi32>
      %slice3A_353 = vector.extract_strided_slice %all_reduce_population_count3A_352 {offsets = [0], sizes = [1], strides = [1]} : vector<16xi32> to vector<1xi32>
      %squeeze3A_354 = vector.extract %slice3A_353[0] : i32 from vector<1xi32>
      %add3A_355 = arith.addi %add3A_328, %squeeze3A_354 : i32
      %scan3A_356 = arith.constant 3 : i32
      %scan3A_357 = arith.addi %scan3A_275, %scan3A_356 : i32
      %mul3A_358 = arith.constant 16 : i32
      %mul3A_359 = arith.muli %scan3A_357, %mul3A_358 : i32
      %get3A_360 = arith.index_cast %mul3A_359 : i32 to index
      %get3A_361 = tpu.vector_load %arg5[%get3A_360] {strides = array<i32>} : memref<16384xi32, #tpu.memory_space<vmem>>, vector<16xi32>,
      %mul3A_362 = arith.constant 16 : i32
      %mul3A_363 = arith.muli %scan3A_357, %mul3A_362 : i32
      %get3A_364 = arith.index_cast %mul3A_363 : i32 to index
      %get3A_365 = tpu.vector_load %arg6[%get3A_364] {strides = array<i32>} : memref<16384xf32, #tpu.memory_space<vmem>>, vector<16xf32>,
      %sub3A_366 = vector.broadcast %mul3A_0 : i32 to vector<16xi32>
      %sub3A_367 = arith.subi %get3A_361, %sub3A_366 : vector<16xi32>
      %ge3A_368 = arith.constant 0 : i32
      %ge3A_369 = vector.broadcast %ge3A_368 : i32 to vector<16xi32>
      %ge3A_370 = arith.cmpi sge, %sub3A_367, %ge3A_369 : vector<16xi32>
      %lt3A_371 = arith.constant 62500 : i32
      %lt3A_372 = vector.broadcast %lt3A_371 : i32 to vector<16xi32>
      %lt3A_373 = arith.cmpi slt, %sub3A_367, %lt3A_372 : vector<16xi32>
      %and3A_374 = arith.andi %ge3A_370, %lt3A_373 : vector<16xi1>
      %swap3A_375 = arith.index_cast %add3A_355 : i32 to index
      %swap3A_376 = tpu.vector_load %arg8[%swap3A_375] masked %and3A_374 {strides = array<i32>} : memref<16400xi32, #tpu.memory_space<vmem>>, vector<16xi32>, vector<16xi1>
      tpu.vector_store %arg8[%swap3A_375], %sub3A_367 masked %and3A_374 {strides = array<i32>} : memref<16400xi32, #tpu.memory_space<vmem>>, vector<16xi32>, vector<16xi1>
      %swap3A_377 = arith.index_cast %add3A_355 : i32 to index
      %swap3A_378 = tpu.vector_load %arg9[%swap3A_377] masked %and3A_374 {strides = array<i32>} : memref<16400xf32, #tpu.memory_space<vmem>>, vector<16xf32>, vector<16xi1>
      tpu.vector_store %arg9[%swap3A_377], %get3A_365 masked %and3A_374 {strides = array<i32>} : memref<16400xf32, #tpu.memory_space<vmem>>, vector<16xf32>, vector<16xi1>
      %all_reduce_population_count3A_379 = tpu.all_reduce %and3A_374 {dim = 0 : i64, kind = #tpu.reduction_kind<sum>} : vector<16xi1> -> vector<16xi32>
      %slice3A_380 = vector.extract_strided_slice %all_reduce_population_count3A_379 {offsets = [0], sizes = [1], strides = [1]} : vector<16xi32> to vector<1xi32>
      %squeeze3A_381 = vector.extract %slice3A_380[0] : i32 from vector<1xi32>
      %add3A_382 = arith.addi %add3A_355, %squeeze3A_381 : i32
      %scan3A_383 = arith.constant 4 : i32
      %scan3A_384 = arith.addi %scan3A_275, %scan3A_383 : i32
      %mul3A_385 = arith.constant 16 : i32
      %mul3A_386 = arith.muli %scan3A_384, %mul3A_385 : i32
      %get3A_387 = arith.index_cast %mul3A_386 : i32 to index
      %get3A_388 = tpu.vector_load %arg5[%get3A_387] {strides = array<i32>} : memref<16384xi32, #tpu.memory_space<vmem>>, vector<16xi32>,
      %mul3A_389 = arith.constant 16 : i32
      %mul3A_390 = arith.muli %scan3A_384, %mul3A_389 : i32
      %get3A_391 = arith.index_cast %mul3A_390 : i32 to index
      %get3A_392 = tpu.vector_load %arg6[%get3A_391] {strides = array<i32>} : memref<16384xf32, #tpu.memory_space<vmem>>, vector<16xf32>,
      %sub3A_393 = vector.broadcast %mul3A_0 : i32 to vector<16xi32>
      %sub3A_394 = arith.subi %get3A_388, %sub3A_393 : vector<16xi32>
      %ge3A_395 = arith.constant 0 : i32
      %ge3A_396 = vector.broadcast %ge3A_395 : i32 to vector<16xi32>
      %ge3A_397 = arith.cmpi sge, %sub3A_394, %ge3A_396 : vector<16xi32>
      %lt3A_398 = arith.constant 62500 : i32
      %lt3A_399 = vector.broadcast %lt3A_398 : i32 to vector<16xi32>
      %lt3A_400 = arith.cmpi slt, %sub3A_394, %lt3A_399 : vector<16xi32>
      %and3A_401 = arith.andi %ge3A_397, %lt3A_400 : vector<16xi1>
      %swap3A_402 = arith.index_cast %add3A_382 : i32 to index
      %swap3A_403 = tpu.vector_load %arg8[%swap3A_402] masked %and3A_401 {strides = array<i32>} : memref<16400xi32, #tpu.memory_space<vmem>>, vector<16xi32>, vector<16xi1>
      tpu.vector_store %arg8[%swap3A_402], %sub3A_394 masked %and3A_401 {strides = array<i32>} : memref<16400xi32, #tpu.memory_space<vmem>>, vector<16xi32>, vector<16xi1>
      %swap3A_404 = arith.index_cast %add3A_382 : i32 to index
      %swap3A_405 = tpu.vector_load %arg9[%swap3A_404] masked %and3A_401 {strides = array<i32>} : memref<16400xf32, #tpu.memory_space<vmem>>, vector<16xf32>, vector<16xi1>
      tpu.vector_store %arg9[%swap3A_404], %get3A_392 masked %and3A_401 {strides = array<i32>} : memref<16400xf32, #tpu.memory_space<vmem>>, vector<16xf32>, vector<16xi1>
      %all_reduce_population_count3A_406 = tpu.all_reduce %and3A_401 {dim = 0 : i64, kind = #tpu.reduction_kind<sum>} : vector<16xi1> -> vector<16xi32>
      %slice3A_407 = vector.extract_strided_slice %all_reduce_population_count3A_406 {offsets = [0], sizes = [1], strides = [1]} : vector<16xi32> to vector<1xi32>
      %squeeze3A_408 = vector.extract %slice3A_407[0] : i32 from vector<1xi32>
      %add3A_409 = arith.addi %add3A_382, %squeeze3A_408 : i32
      %scan3A_410 = arith.constant 5 : i32
      %scan3A_411 = arith.addi %scan3A_275, %scan3A_410 : i32
      %mul3A_412 = arith.constant 16 : i32
      %mul3A_413 = arith.muli %scan3A_411, %mul3A_412 : i32
      %get3A_414 = arith.index_cast %mul3A_413 : i32 to index
      %get3A_415 = tpu.vector_load %arg5[%get3A_414] {strides = array<i32>} : memref<16384xi32, #tpu.memory_space<vmem>>, vector<16xi32>,
      %mul3A_416 = arith.constant 16 : i32
      %mul3A_417 = arith.muli %scan3A_411, %mul3A_416 : i32
      %get3A_418 = arith.index_cast %mul3A_417 : i32 to index
      %get3A_419 = tpu.vector_load %arg6[%get3A_418] {strides = array<i32>} : memref<16384xf32, #tpu.memory_space<vmem>>, vector<16xf32>,
      %sub3A_420 = vector.broadcast %mul3A_0 : i32 to vector<16xi32>
      %sub3A_421 = arith.subi %get3A_415, %sub3A_420 : vector<16xi32>
      %ge3A_422 = arith.constant 0 : i32
      %ge3A_423 = vector.broadcast %ge3A_422 : i32 to vector<16xi32>
      %ge3A_424 = arith.cmpi sge, %sub3A_421, %ge3A_423 : vector<16xi32>
      %lt3A_425 = arith.constant 62500 : i32
      %lt3A_426 = vector.broadcast %lt3A_425 : i32 to vector<16xi32>
      %lt3A_427 = arith.cmpi slt, %sub3A_421, %lt3A_426 : vector<16xi32>
      %and3A_428 = arith.andi %ge3A_424, %lt3A_427 : vector<16xi1>
      %swap3A_429 = arith.index_cast %add3A_409 : i32 to index
      %swap3A_430 = tpu.vector_load %arg8[%swap3A_429] masked %and3A_428 {strides = array<i32>} : memref<16400xi32, #tpu.memory_space<vmem>>, vector<16xi32>, vector<16xi1>
      tpu.vector_store %arg8[%swap3A_429], %sub3A_421 masked %and3A_428 {strides = array<i32>} : memref<16400xi32, #tpu.memory_space<vmem>>, vector<16xi32>, vector<16xi1>
      %swap3A_431 = arith.index_cast %add3A_409 : i32 to index
      %swap3A_432 = tpu.vector_load %arg9[%swap3A_431] masked %and3A_428 {strides = array<i32>} : memref<16400xf32, #tpu.memory_space<vmem>>, vector<16xf32>, vector<16xi1>
      tpu.vector_store %arg9[%swap3A_431], %get3A_419 masked %and3A_428 {strides = array<i32>} : memref<16400xf32, #tpu.memory_space<vmem>>, vector<16xf32>, vector<16xi1>
      %all_reduce_population_count3A_433 = tpu.all_reduce %and3A_428 {dim = 0 : i64, kind = #tpu.reduction_kind<sum>} : vector<16xi1> -> vector<16xi32>
      %slice3A_434 = vector.extract_strided_slice %all_reduce_population_count3A_433 {offsets = [0], sizes = [1], strides = [1]} : vector<16xi32> to vector<1xi32>
      %squeeze3A_435 = vector.extract %slice3A_434[0] : i32 from vector<1xi32>
      %add3A_436 = arith.addi %add3A_409, %squeeze3A_435 : i32
      %scan3A_437 = arith.constant 6 : i32
      %scan3A_438 = arith.addi %scan3A_275, %scan3A_437 : i32
      %mul3A_439 = arith.constant 16 : i32
      %mul3A_440 = arith.muli %scan3A_438, %mul3A_439 : i32
      %get3A_441 = arith.index_cast %mul3A_440 : i32 to index
      %get3A_442 = tpu.vector_load %arg5[%get3A_441] {strides = array<i32>} : memref<16384xi32, #tpu.memory_space<vmem>>, vector<16xi32>,
      %mul3A_443 = arith.constant 16 : i32
      %mul3A_444 = arith.muli %scan3A_438, %mul3A_443 : i32
      %get3A_445 = arith.index_cast %mul3A_444 : i32 to index
      %get3A_446 = tpu.vector_load %arg6[%get3A_445] {strides = array<i32>} : memref<16384xf32, #tpu.memory_space<vmem>>, vector<16xf32>,
      %sub3A_447 = vector.broadcast %mul3A_0 : i32 to vector<16xi32>
      %sub3A_448 = arith.subi %get3A_442, %sub3A_447 : vector<16xi32>
      %ge3A_449 = arith.constant 0 : i32
      %ge3A_450 = vector.broadcast %ge3A_449 : i32 to vector<16xi32>
      %ge3A_451 = arith.cmpi sge, %sub3A_448, %ge3A_450 : vector<16xi32>
      %lt3A_452 = arith.constant 62500 : i32
      %lt3A_453 = vector.broadcast %lt3A_452 : i32 to vector<16xi32>
      %lt3A_454 = arith.cmpi slt, %sub3A_448, %lt3A_453 : vector<16xi32>
      %and3A_455 = arith.andi %ge3A_451, %lt3A_454 : vector<16xi1>
      %swap3A_456 = arith.index_cast %add3A_436 : i32 to index
      %swap3A_457 = tpu.vector_load %arg8[%swap3A_456] masked %and3A_455 {strides = array<i32>} : memref<16400xi32, #tpu.memory_space<vmem>>, vector<16xi32>, vector<16xi1>
      tpu.vector_store %arg8[%swap3A_456], %sub3A_448 masked %and3A_455 {strides = array<i32>} : memref<16400xi32, #tpu.memory_space<vmem>>, vector<16xi32>, vector<16xi1>
      %swap3A_458 = arith.index_cast %add3A_436 : i32 to index
      %swap3A_459 = tpu.vector_load %arg9[%swap3A_458] masked %and3A_455 {strides = array<i32>} : memref<16400xf32, #tpu.memory_space<vmem>>, vector<16xf32>, vector<16xi1>
      tpu.vector_store %arg9[%swap3A_458], %get3A_446 masked %and3A_455 {strides = array<i32>} : memref<16400xf32, #tpu.memory_space<vmem>>, vector<16xf32>, vector<16xi1>
      %all_reduce_population_count3A_460 = tpu.all_reduce %and3A_455 {dim = 0 : i64, kind = #tpu.reduction_kind<sum>} : vector<16xi1> -> vector<16xi32>
      %slice3A_461 = vector.extract_strided_slice %all_reduce_population_count3A_460 {offsets = [0], sizes = [1], strides = [1]} : vector<16xi32> to vector<1xi32>
      %squeeze3A_462 = vector.extract %slice3A_461[0] : i32 from vector<1xi32>
      %add3A_463 = arith.addi %add3A_436, %squeeze3A_462 : i32
      %scan3A_464 = arith.constant 7 : i32
      %scan3A_465 = arith.addi %scan3A_275, %scan3A_464 : i32
      %mul3A_466 = arith.constant 16 : i32
      %mul3A_467 = arith.muli %scan3A_465, %mul3A_466 : i32
      %get3A_468 = arith.index_cast %mul3A_467 : i32 to index
      %get3A_469 = tpu.vector_load %arg5[%get3A_468] {strides = array<i32>} : memref<16384xi32, #tpu.memory_space<vmem>>, vector<16xi32>,
      %mul3A_470 = arith.constant 16 : i32
      %mul3A_471 = arith.muli %scan3A_465, %mul3A_470 : i32
      %get3A_472 = arith.index_cast %mul3A_471 : i32 to index
      %get3A_473 = tpu.vector_load %arg6[%get3A_472] {strides = array<i32>} : memref<16384xf32, #tpu.memory_space<vmem>>, vector<16xf32>,
      %sub3A_474 = vector.broadcast %mul3A_0 : i32 to vector<16xi32>
      %sub3A_475 = arith.subi %get3A_469, %sub3A_474 : vector<16xi32>
      %ge3A_476 = arith.constant 0 : i32
      %ge3A_477 = vector.broadcast %ge3A_476 : i32 to vector<16xi32>
      %ge3A_478 = arith.cmpi sge, %sub3A_475, %ge3A_477 : vector<16xi32>
      %lt3A_479 = arith.constant 62500 : i32
      %lt3A_480 = vector.broadcast %lt3A_479 : i32 to vector<16xi32>
      %lt3A_481 = arith.cmpi slt, %sub3A_475, %lt3A_480 : vector<16xi32>
      %and3A_482 = arith.andi %ge3A_478, %lt3A_481 : vector<16xi1>
      %swap3A_483 = arith.index_cast %add3A_463 : i32 to index
      %swap3A_484 = tpu.vector_load %arg8[%swap3A_483] masked %and3A_482 {strides = array<i32>} : memref<16400xi32, #tpu.memory_space<vmem>>, vector<16xi32>, vector<16xi1>
      tpu.vector_store %arg8[%swap3A_483], %sub3A_475 masked %and3A_482 {strides = array<i32>} : memref<16400xi32, #tpu.memory_space<vmem>>, vector<16xi32>, vector<16xi1>
      %swap3A_485 = arith.index_cast %add3A_463 : i32 to index
      %swap3A_486 = tpu.vector_load %arg9[%swap3A_485] masked %and3A_482 {strides = array<i32>} : memref<16400xf32, #tpu.memory_space<vmem>>, vector<16xf32>, vector<16xi1>
      tpu.vector_store %arg9[%swap3A_485], %get3A_473 masked %and3A_482 {strides = array<i32>} : memref<16400xf32, #tpu.memory_space<vmem>>, vector<16xf32>, vector<16xi1>
      %all_reduce_population_count3A_487 = tpu.all_reduce %and3A_482 {dim = 0 : i64, kind = #tpu.reduction_kind<sum>} : vector<16xi1> -> vector<16xi32>
      %slice3A_488 = vector.extract_strided_slice %all_reduce_population_count3A_487 {offsets = [0], sizes = [1], strides = [1]} : vector<16xi32> to vector<1xi32>
      %squeeze3A_489 = vector.extract %slice3A_488[0] : i32 from vector<1xi32>
      %add3A_490 = arith.addi %add3A_463, %squeeze3A_489 : i32
      scf.yield %add3A_490 : i32
    }
    %scan3A_34 = arith.constant 1024 : i32
    %add3A = arith.constant 15 : i32
    %add3A_35 = arith.addi %scan3A_33, %add3A : i32
    %jit3A = arith.constant 16 : i32
    %div3A = arith.divsi %add3A_35, %jit3A : i32
    %sign3A = arith.constant 0 : i32
    %sign3A_36 = arith.cmpi sgt, %add3A_35, %sign3A : i32
    %sign3A_37 = arith.extui %sign3A_36 : i1 to i32
    %sign3A_38 = arith.constant 0 : i32
    %sign3A_39 = arith.cmpi slt, %add3A_35, %sign3A_38 : i32
    %sign3A_40 = arith.extui %sign3A_39 : i1 to i32
    %sign3A_41 = arith.subi %sign3A_37, %sign3A_40 : i32
    %sign3A_42 = arith.constant 0 : i32
    %sign3A_43 = arith.cmpi sgt, %jit3A, %sign3A_42 : i32
    %sign3A_44 = arith.extui %sign3A_43 : i1 to i32
    %sign3A_45 = arith.constant 0 : i32
    %sign3A_46 = arith.cmpi slt, %jit3A, %sign3A_45 : i32
    %sign3A_47 = arith.extui %sign3A_46 : i1 to i32
    %sign3A_48 = arith.subi %sign3A_44, %sign3A_47 : i32
    %ne3A = arith.cmpi ne, %sign3A_41, %sign3A_48 : i32
    %rem3A = arith.remsi %add3A_35, %jit3A : i32
    %ne3A_49 = arith.constant 0 : i32
    %ne3A_50 = arith.cmpi ne, %rem3A, %ne3A_49 : i32
    %and3A = arith.andi %ne3A, %ne3A_50 : i1
    %sub3A = arith.constant 1 : i32
    %sub3A_51 = arith.subi %div3A, %sub3A : i32
    %select_n3A = arith.select %and3A, %sub3A_51, %div3A : i32
    %while3A = arith.constant 0 : i32
    %while3A_52 = arith.constant 0 : i32
    %while3A_53 = arith.subi %select_n3A, %while3A : i32
    %while3A_54 = arith.addi %while3A, %while3A_53 : i32
    %while3A_55 = arith.constant 1 : i32
    %while3A_56 = arith.divsi %while3A_53, %while3A_55 : i32
    %while3A_57 = arith.muli %while3A_56, %while3A_55 : i32
    %while3A_58 = arith.addi %while3A, %while3A_57 : i32
    %while3A_59 = arith.constant 1 : i32
    %while3A_60 = scf.for %while3A_275 = %while3A to %while3A_58 step %while3A_59 iter_args(%while3A_276 = %while3A_52) -> (i32)  : i32 {
      %mul3A_277 = arith.constant 16 : i32
      %mul3A_278 = arith.muli %while3A_275, %mul3A_277 : i32
      %get3A_279 = arith.index_cast %mul3A_278 : i32 to index
      %get3A_280 = tpu.vector_load %arg8[%get3A_279] {strides = array<i32>} : memref<16400xi32, #tpu.memory_space<vmem>>, vector<16xi32>,
      %mul3A_281 = arith.constant 16 : i32
      %mul3A_282 = arith.muli %while3A_275, %mul3A_281 : i32
      %get3A_283 = arith.index_cast %mul3A_282 : i32 to index
      %get3A_284 = tpu.vector_load %arg9[%get3A_283] {strides = array<i32>} : memref<16400xf32, #tpu.memory_space<vmem>>, vector<16xf32>,
      %mul3A_285 = arith.constant 16 : i32
      %mul3A_286 = arith.muli %while3A_275, %mul3A_285 : i32
      %add3A_287 = vector.broadcast %mul3A_286 : i32 to vector<16xi32>
      %add3A_288 = arith.addi %add3A_287, %iota3A : vector<16xi32>
      %lt3A_289 = vector.broadcast %scan3A_33 : i32 to vector<16xi32>
      %lt3A_290 = arith.cmpi slt, %add3A_288, %lt3A_289 : vector<16xi32>
      %jit3A_291 = arith.constant 0 : i32
      %jit3A_292 = arith.constant 62499 : i32
      %max3A_293 = vector.broadcast %jit3A_291 : i32 to vector<16xi32>
      %max3A_294 = arith.maxsi %max3A_293, %get3A_280 : vector<16xi32>
      %min3A_295 = vector.broadcast %jit3A_292 : i32 to vector<16xi32>
      %min3A_296 = arith.minsi %min3A_295, %max3A_294 : vector<16xi32>
      %unique3A, %unique3A_297 = tpu.scan_count mask(%lt3A_290 : vector<16xi1>) value(%get3A_280 : vector<16xi32>) : vector<16xi1>, vector<16xi32>
      %jit3A_298 = arith.constant 1073741824 : i32
      %broadcast_in_dim3A_299 = vector.broadcast %jit3A_298 : i32 to vector<16xi32>
      %select_n3A_300 = arith.select %lt3A_290, %unique3A_297, %broadcast_in_dim3A_299 : vector<16xi1>, vector<16xi32>
      %reduce_min3A = arith.constant true
      %reduce_min3A_301 = vector.broadcast %reduce_min3A : i1 to vector<16xi1>
      %reduce_min3A_302 = arith.constant -2147483648 : i32
      %reduce_min3A_303 = vector.broadcast %reduce_min3A_302 : i32 to vector<16xi32>
      %reduce_min3A_304 = arith.xori %select_n3A_300, %reduce_min3A_303 : vector<16xi32>
      %reduce_min3A_305 = tpu.scan <min>, %reduce_min3A_304 masked %reduce_min3A_301 : vector<16xi32>, vector<16xi1> -> vector<16xi32>
      %reduce_min3A_306 = arith.xori %reduce_min3A_305, %reduce_min3A_303 : vector<16xi32>
      %reduce_min3A_307 = vector.extract %reduce_min3A_306[15] : i32 from vector<16xi32>
      %jit3A_308 = arith.constant -1073741824 : i32
      %broadcast_in_dim3A_309 = vector.broadcast %jit3A_308 : i32 to vector<16xi32>
      %select_n3A_310 = arith.select %lt3A_290, %unique3A_297, %broadcast_in_dim3A_309 : vector<16xi1>, vector<16xi32>
      %reduce_max3A = arith.constant true
      %reduce_max3A_311 = vector.broadcast %reduce_max3A : i1 to vector<16xi1>
      %reduce_max3A_312 = arith.constant -2147483648 : i32
      %reduce_max3A_313 = vector.broadcast %reduce_max3A_312 : i32 to vector<16xi32>
      %reduce_max3A_314 = arith.xori %select_n3A_310, %reduce_max3A_313 : vector<16xi32>
      %reduce_max3A_315 = tpu.scan <max>, %reduce_max3A_314 masked %reduce_max3A_311 : vector<16xi32>, vector<16xi1> -> vector<16xi32>
      %reduce_max3A_316 = arith.xori %reduce_max3A_315, %reduce_max3A_313 : vector<16xi32>
      %reduce_max3A_317 = vector.extract %reduce_max3A_316[15] : i32 from vector<16xi32>
      %sub3A_318 = arith.subi %reduce_max3A_317, %reduce_min3A_307 : i32
      %add3A_319 = arith.constant 1 : i32
      %add3A_320 = arith.addi %sub3A_318, %add3A_319 : i32
      %max3A_321 = arith.constant 0 : i32
      %max3A_322 = arith.maxsi %add3A_320, %max3A_321 : i32
      %while3A_323 = arith.constant 0 : i32
      %while3A_324 = arith.constant 0 : i32
      %while3A_325 = arith.subi %max3A_322, %while3A_323 : i32
      %while3A_326 = arith.addi %while3A_323, %while3A_325 : i32
      %while3A_327 = arith.constant 1 : i32
      %while3A_328 = arith.divsi %while3A_325, %while3A_327 : i32
      %while3A_329 = arith.muli %while3A_328, %while3A_327 : i32
      %while3A_330 = arith.addi %while3A_323, %while3A_329 : i32
      %while3A_331 = arith.constant 1 : i32
      %while3A_332 = scf.for %while3A_336 = %while3A_323 to %while3A_330 step %while3A_331 iter_args(%while3A_337 = %while3A_324) -> (i32)  : i32 {
        %add3A_338 = arith.addi %reduce_min3A_307, %while3A_336 : i32
        %eq3A = vector.broadcast %add3A_338 : i32 to vector<16xi32>
        %eq3A_339 = arith.cmpi eq, %unique3A_297, %eq3A : vector<16xi32>
        %and3A_340 = arith.andi %lt3A_290, %eq3A_339 : vector<16xi1>
        %gather3A_341 = tpu.vector_load_idx %arg7[%min3A_296] masked %and3A_340 : memref<62512xf32, #tpu.memory_space<vmem>>[vector<16xi32>], vector<16xf32>, vector<16xi1>
        %gt3A = arith.cmpf ogt, %get3A_284, %gather3A_341 : vector<16xf32>
        %and3A_342 = arith.andi %and3A_340, %gt3A : vector<16xi1>
        tpu.vector_store_idx %arg7[%min3A_296], %get3A_284 masked %and3A_342 : memref<62512xf32, #tpu.memory_space<vmem>>[vector<16xi32>], vector<16xf32>, vector<16xi1>
        %while3A_343 = arith.constant 0 : i32
        scf.yield %while3A_343 : i32
      }
      %while3A_333 = arith.constant 1 : i32
      %while3A_334 = scf.for %while3A_336 = %while3A_330 to %while3A_326 step %while3A_333 iter_args(%while3A_337 = %while3A_332) -> (i32)  : i32 {
        %add3A_338 = arith.addi %reduce_min3A_307, %while3A_336 : i32
        %eq3A = vector.broadcast %add3A_338 : i32 to vector<16xi32>
        %eq3A_339 = arith.cmpi eq, %unique3A_297, %eq3A : vector<16xi32>
        %and3A_340 = arith.andi %lt3A_290, %eq3A_339 : vector<16xi1>
        %gather3A_341 = tpu.vector_load_idx %arg7[%min3A_296] masked %and3A_340 : memref<62512xf32, #tpu.memory_space<vmem>>[vector<16xi32>], vector<16xf32>, vector<16xi1>
        %gt3A = arith.cmpf ogt, %get3A_284, %gather3A_341 : vector<16xf32>
        %and3A_342 = arith.andi %and3A_340, %gt3A : vector<16xi1>
        tpu.vector_store_idx %arg7[%min3A_296], %get3A_284 masked %and3A_342 : memref<62512xf32, #tpu.memory_space<vmem>>[vector<16xi32>], vector<16xf32>, vector<16xi1>
        %while3A_343 = arith.constant 0 : i32
        scf.yield %while3A_343 : i32
      }
      %while3A_335 = arith.constant 0 : i32
      scf.yield %while3A_335 : i32
    }
    %while3A_61 = arith.constant 1 : i32
    %while3A_62 = scf.for %while3A_275 = %while3A_58 to %while3A_54 step %while3A_61 iter_args(%while3A_276 = %while3A_60) -> (i32)  : i32 {
      %mul3A_277 = arith.constant 16 : i32
      %mul3A_278 = arith.muli %while3A_275, %mul3A_277 : i32
      %get3A_279 = arith.index_cast %mul3A_278 : i32 to index
      %get3A_280 = tpu.vector_load %arg8[%get3A_279] {strides = array<i32>} : memref<16400xi32, #tpu.memory_space<vmem>>, vector<16xi32>,
      %mul3A_281 = arith.constant 16 : i32
      %mul3A_282 = arith.muli %while3A_275, %mul3A_281 : i32
      %get3A_283 = arith.index_cast %mul3A_282 : i32 to index
      %get3A_284 = tpu.vector_load %arg9[%get3A_283] {strides = array<i32>} : memref<16400xf32, #tpu.memory_space<vmem>>, vector<16xf32>,
      %mul3A_285 = arith.constant 16 : i32
      %mul3A_286 = arith.muli %while3A_275, %mul3A_285 : i32
      %add3A_287 = vector.broadcast %mul3A_286 : i32 to vector<16xi32>
      %add3A_288 = arith.addi %add3A_287, %iota3A : vector<16xi32>
      %lt3A_289 = vector.broadcast %scan3A_33 : i32 to vector<16xi32>
      %lt3A_290 = arith.cmpi slt, %add3A_288, %lt3A_289 : vector<16xi32>
      %jit3A_291 = arith.constant 0 : i32
      %jit3A_292 = arith.constant 62499 : i32
      %max3A_293 = vector.broadcast %jit3A_291 : i32 to vector<16xi32>
      %max3A_294 = arith.maxsi %max3A_293, %get3A_280 : vector<16xi32>
      %min3A_295 = vector.broadcast %jit3A_292 : i32 to vector<16xi32>
      %min3A_296 = arith.minsi %min3A_295, %max3A_294 : vector<16xi32>
      %unique3A, %unique3A_297 = tpu.scan_count mask(%lt3A_290 : vector<16xi1>) value(%get3A_280 : vector<16xi32>) : vector<16xi1>, vector<16xi32>
      %jit3A_298 = arith.constant 1073741824 : i32
      %broadcast_in_dim3A_299 = vector.broadcast %jit3A_298 : i32 to vector<16xi32>
      %select_n3A_300 = arith.select %lt3A_290, %unique3A_297, %broadcast_in_dim3A_299 : vector<16xi1>, vector<16xi32>
      %reduce_min3A = arith.constant true
      %reduce_min3A_301 = vector.broadcast %reduce_min3A : i1 to vector<16xi1>
      %reduce_min3A_302 = arith.constant -2147483648 : i32
      %reduce_min3A_303 = vector.broadcast %reduce_min3A_302 : i32 to vector<16xi32>
      %reduce_min3A_304 = arith.xori %select_n3A_300, %reduce_min3A_303 : vector<16xi32>
      %reduce_min3A_305 = tpu.scan <min>, %reduce_min3A_304 masked %reduce_min3A_301 : vector<16xi32>, vector<16xi1> -> vector<16xi32>
      %reduce_min3A_306 = arith.xori %reduce_min3A_305, %reduce_min3A_303 : vector<16xi32>
      %reduce_min3A_307 = vector.extract %reduce_min3A_306[15] : i32 from vector<16xi32>
      %jit3A_308 = arith.constant -1073741824 : i32
      %broadcast_in_dim3A_309 = vector.broadcast %jit3A_308 : i32 to vector<16xi32>
      %select_n3A_310 = arith.select %lt3A_290, %unique3A_297, %broadcast_in_dim3A_309 : vector<16xi1>, vector<16xi32>
      %reduce_max3A = arith.constant true
      %reduce_max3A_311 = vector.broadcast %reduce_max3A : i1 to vector<16xi1>
      %reduce_max3A_312 = arith.constant -2147483648 : i32
      %reduce_max3A_313 = vector.broadcast %reduce_max3A_312 : i32 to vector<16xi32>
      %reduce_max3A_314 = arith.xori %select_n3A_310, %reduce_max3A_313 : vector<16xi32>
      %reduce_max3A_315 = tpu.scan <max>, %reduce_max3A_314 masked %reduce_max3A_311 : vector<16xi32>, vector<16xi1> -> vector<16xi32>
      %reduce_max3A_316 = arith.xori %reduce_max3A_315, %reduce_max3A_313 : vector<16xi32>
      %reduce_max3A_317 = vector.extract %reduce_max3A_316[15] : i32 from vector<16xi32>
      %sub3A_318 = arith.subi %reduce_max3A_317, %reduce_min3A_307 : i32
      %add3A_319 = arith.constant 1 : i32
      %add3A_320 = arith.addi %sub3A_318, %add3A_319 : i32
      %max3A_321 = arith.constant 0 : i32
      %max3A_322 = arith.maxsi %add3A_320, %max3A_321 : i32
      %while3A_323 = arith.constant 0 : i32
      %while3A_324 = arith.constant 0 : i32
      %while3A_325 = arith.subi %max3A_322, %while3A_323 : i32
      %while3A_326 = arith.addi %while3A_323, %while3A_325 : i32
      %while3A_327 = arith.constant 1 : i32
      %while3A_328 = arith.divsi %while3A_325, %while3A_327 : i32
      %while3A_329 = arith.muli %while3A_328, %while3A_327 : i32
      %while3A_330 = arith.addi %while3A_323, %while3A_329 : i32
      %while3A_331 = arith.constant 1 : i32
      %while3A_332 = scf.for %while3A_336 = %while3A_323 to %while3A_330 step %while3A_331 iter_args(%while3A_337 = %while3A_324) -> (i32)  : i32 {
        %add3A_338 = arith.addi %reduce_min3A_307, %while3A_336 : i32
        %eq3A = vector.broadcast %add3A_338 : i32 to vector<16xi32>
        %eq3A_339 = arith.cmpi eq, %unique3A_297, %eq3A : vector<16xi32>
        %and3A_340 = arith.andi %lt3A_290, %eq3A_339 : vector<16xi1>
        %gather3A_341 = tpu.vector_load_idx %arg7[%min3A_296] masked %and3A_340 : memref<62512xf32, #tpu.memory_space<vmem>>[vector<16xi32>], vector<16xf32>, vector<16xi1>
        %gt3A = arith.cmpf ogt, %get3A_284, %gather3A_341 : vector<16xf32>
        %and3A_342 = arith.andi %and3A_340, %gt3A : vector<16xi1>
        tpu.vector_store_idx %arg7[%min3A_296], %get3A_284 masked %and3A_342 : memref<62512xf32, #tpu.memory_space<vmem>>[vector<16xi32>], vector<16xf32>, vector<16xi1>
        %while3A_343 = arith.constant 0 : i32
        scf.yield %while3A_343 : i32
      }
      %while3A_333 = arith.constant 1 : i32
      %while3A_334 = scf.for %while3A_336 = %while3A_330 to %while3A_326 step %while3A_333 iter_args(%while3A_337 = %while3A_332) -> (i32)  : i32 {
        %add3A_338 = arith.addi %reduce_min3A_307, %while3A_336 : i32
        %eq3A = vector.broadcast %add3A_338 : i32 to vector<16xi32>
        %eq3A_339 = arith.cmpi eq, %unique3A_297, %eq3A : vector<16xi32>
        %and3A_340 = arith.andi %lt3A_290, %eq3A_339 : vector<16xi1>
        %gather3A_341 = tpu.vector_load_idx %arg7[%min3A_296] masked %and3A_340 : memref<62512xf32, #tpu.memory_space<vmem>>[vector<16xi32>], vector<16xf32>, vector<16xi1>
        %gt3A = arith.cmpf ogt, %get3A_284, %gather3A_341 : vector<16xf32>
        %and3A_342 = arith.andi %and3A_340, %gt3A : vector<16xi1>
        tpu.vector_store_idx %arg7[%min3A_296], %get3A_284 masked %and3A_342 : memref<62512xf32, #tpu.memory_space<vmem>>[vector<16xi32>], vector<16xf32>, vector<16xi1>
        %while3A_343 = arith.constant 0 : i32
        scf.yield %while3A_343 : i32
      }
      %while3A_335 = arith.constant 0 : i32
      scf.yield %while3A_335 : i32
    }
    %scan3A_63 = arith.constant 0 : i32
    %scan3A_64 = arith.constant 0 : i32
    %scan3A_65 = arith.constant 3904 : i32
    %scan3A_66 = arith.addi %scan3A_64, %scan3A_65 : i32
    %scan3A_67 = arith.constant 16 : i32
    %scan3A_68 = scf.for %scan3A_275 = %scan3A_64 to %scan3A_66 step %scan3A_67 iter_args(%scan3A_276 = %scan3A_63) -> (i32)  : i32 {
      %mul3A_277 = arith.constant 16 : i32
      %mul3A_278 = arith.muli %scan3A_275, %mul3A_277 : i32
      %get3A_279 = arith.index_cast %mul3A_278 : i32 to index
      %get3A_280 = tpu.vector_load %arg7[%get3A_279] {strides = array<i32>} : memref<62512xf32, #tpu.memory_space<vmem>>, vector<16xf32>,
      %ge3A_281 = arith.constant 0.000000e+00 : f32
      %ge3A_282 = vector.broadcast %ge3A_281 : f32 to vector<16xf32>
      %ge3A_283 = arith.cmpf oge, %get3A_280, %ge3A_282 : vector<16xf32>
      %swap3A_284 = arith.index_cast %scan3A_276 : i32 to index
      %swap3A_285 = tpu.vector_load %arg9[%swap3A_284] masked %ge3A_283 {strides = array<i32>} : memref<16400xf32, #tpu.memory_space<vmem>>, vector<16xf32>, vector<16xi1>
      tpu.vector_store %arg9[%swap3A_284], %get3A_280 masked %ge3A_283 {strides = array<i32>} : memref<16400xf32, #tpu.memory_space<vmem>>, vector<16xf32>, vector<16xi1>
      %all_reduce_population_count3A_286 = tpu.all_reduce %ge3A_283 {dim = 0 : i64, kind = #tpu.reduction_kind<sum>} : vector<16xi1> -> vector<16xi32>
      %slice3A_287 = vector.extract_strided_slice %all_reduce_population_count3A_286 {offsets = [0], sizes = [1], strides = [1]} : vector<16xi32> to vector<1xi32>
      %squeeze3A_288 = vector.extract %slice3A_287[0] : i32 from vector<1xi32>
      %add3A_289 = arith.addi %scan3A_276, %squeeze3A_288 : i32
      %scan3A_290 = arith.constant 1 : i32
      %scan3A_291 = arith.addi %scan3A_275, %scan3A_290 : i32
      %mul3A_292 = arith.constant 16 : i32
      %mul3A_293 = arith.muli %scan3A_291, %mul3A_292 : i32
      %get3A_294 = arith.index_cast %mul3A_293 : i32 to index
      %get3A_295 = tpu.vector_load %arg7[%get3A_294] {strides = array<i32>} : memref<62512xf32, #tpu.memory_space<vmem>>, vector<16xf32>,
      %ge3A_296 = arith.constant 0.000000e+00 : f32
      %ge3A_297 = vector.broadcast %ge3A_296 : f32 to vector<16xf32>
      %ge3A_298 = arith.cmpf oge, %get3A_295, %ge3A_297 : vector<16xf32>
      %swap3A_299 = arith.index_cast %add3A_289 : i32 to index
      %swap3A_300 = tpu.vector_load %arg9[%swap3A_299] masked %ge3A_298 {strides = array<i32>} : memref<16400xf32, #tpu.memory_space<vmem>>, vector<16xf32>, vector<16xi1>
      tpu.vector_store %arg9[%swap3A_299], %get3A_295 masked %ge3A_298 {strides = array<i32>} : memref<16400xf32, #tpu.memory_space<vmem>>, vector<16xf32>, vector<16xi1>
      %all_reduce_population_count3A_301 = tpu.all_reduce %ge3A_298 {dim = 0 : i64, kind = #tpu.reduction_kind<sum>} : vector<16xi1> -> vector<16xi32>
      %slice3A_302 = vector.extract_strided_slice %all_reduce_population_count3A_301 {offsets = [0], sizes = [1], strides = [1]} : vector<16xi32> to vector<1xi32>
      %squeeze3A_303 = vector.extract %slice3A_302[0] : i32 from vector<1xi32>
      %add3A_304 = arith.addi %add3A_289, %squeeze3A_303 : i32
      %scan3A_305 = arith.constant 2 : i32
      %scan3A_306 = arith.addi %scan3A_275, %scan3A_305 : i32
      %mul3A_307 = arith.constant 16 : i32
      %mul3A_308 = arith.muli %scan3A_306, %mul3A_307 : i32
      %get3A_309 = arith.index_cast %mul3A_308 : i32 to index
      %get3A_310 = tpu.vector_load %arg7[%get3A_309] {strides = array<i32>} : memref<62512xf32, #tpu.memory_space<vmem>>, vector<16xf32>,
      %ge3A_311 = arith.constant 0.000000e+00 : f32
      %ge3A_312 = vector.broadcast %ge3A_311 : f32 to vector<16xf32>
      %ge3A_313 = arith.cmpf oge, %get3A_310, %ge3A_312 : vector<16xf32>
      %swap3A_314 = arith.index_cast %add3A_304 : i32 to index
      %swap3A_315 = tpu.vector_load %arg9[%swap3A_314] masked %ge3A_313 {strides = array<i32>} : memref<16400xf32, #tpu.memory_space<vmem>>, vector<16xf32>, vector<16xi1>
      tpu.vector_store %arg9[%swap3A_314], %get3A_310 masked %ge3A_313 {strides = array<i32>} : memref<16400xf32, #tpu.memory_space<vmem>>, vector<16xf32>, vector<16xi1>
      %all_reduce_population_count3A_316 = tpu.all_reduce %ge3A_313 {dim = 0 : i64, kind = #tpu.reduction_kind<sum>} : vector<16xi1> -> vector<16xi32>
      %slice3A_317 = vector.extract_strided_slice %all_reduce_population_count3A_316 {offsets = [0], sizes = [1], strides = [1]} : vector<16xi32> to vector<1xi32>
      %squeeze3A_318 = vector.extract %slice3A_317[0] : i32 from vector<1xi32>
      %add3A_319 = arith.addi %add3A_304, %squeeze3A_318 : i32
      %scan3A_320 = arith.constant 3 : i32
      %scan3A_321 = arith.addi %scan3A_275, %scan3A_320 : i32
      %mul3A_322 = arith.constant 16 : i32
      %mul3A_323 = arith.muli %scan3A_321, %mul3A_322 : i32
      %get3A_324 = arith.index_cast %mul3A_323 : i32 to index
      %get3A_325 = tpu.vector_load %arg7[%get3A_324] {strides = array<i32>} : memref<62512xf32, #tpu.memory_space<vmem>>, vector<16xf32>,
      %ge3A_326 = arith.constant 0.000000e+00 : f32
      %ge3A_327 = vector.broadcast %ge3A_326 : f32 to vector<16xf32>
      %ge3A_328 = arith.cmpf oge, %get3A_325, %ge3A_327 : vector<16xf32>
      %swap3A_329 = arith.index_cast %add3A_319 : i32 to index
      %swap3A_330 = tpu.vector_load %arg9[%swap3A_329] masked %ge3A_328 {strides = array<i32>} : memref<16400xf32, #tpu.memory_space<vmem>>, vector<16xf32>, vector<16xi1>
      tpu.vector_store %arg9[%swap3A_329], %get3A_325 masked %ge3A_328 {strides = array<i32>} : memref<16400xf32, #tpu.memory_space<vmem>>, vector<16xf32>, vector<16xi1>
      %all_reduce_population_count3A_331 = tpu.all_reduce %ge3A_328 {dim = 0 : i64, kind = #tpu.reduction_kind<sum>} : vector<16xi1> -> vector<16xi32>
      %slice3A_332 = vector.extract_strided_slice %all_reduce_population_count3A_331 {offsets = [0], sizes = [1], strides = [1]} : vector<16xi32> to vector<1xi32>
      %squeeze3A_333 = vector.extract %slice3A_332[0] : i32 from vector<1xi32>
      %add3A_334 = arith.addi %add3A_319, %squeeze3A_333 : i32
      %scan3A_335 = arith.constant 4 : i32
      %scan3A_336 = arith.addi %scan3A_275, %scan3A_335 : i32
      %mul3A_337 = arith.constant 16 : i32
      %mul3A_338 = arith.muli %scan3A_336, %mul3A_337 : i32
      %get3A_339 = arith.index_cast %mul3A_338 : i32 to index
      %get3A_340 = tpu.vector_load %arg7[%get3A_339] {strides = array<i32>} : memref<62512xf32, #tpu.memory_space<vmem>>, vector<16xf32>,
      %ge3A_341 = arith.constant 0.000000e+00 : f32
      %ge3A_342 = vector.broadcast %ge3A_341 : f32 to vector<16xf32>
      %ge3A_343 = arith.cmpf oge, %get3A_340, %ge3A_342 : vector<16xf32>
      %swap3A_344 = arith.index_cast %add3A_334 : i32 to index
      %swap3A_345 = tpu.vector_load %arg9[%swap3A_344] masked %ge3A_343 {strides = array<i32>} : memref<16400xf32, #tpu.memory_space<vmem>>, vector<16xf32>, vector<16xi1>
      tpu.vector_store %arg9[%swap3A_344], %get3A_340 masked %ge3A_343 {strides = array<i32>} : memref<16400xf32, #tpu.memory_space<vmem>>, vector<16xf32>, vector<16xi1>
      %all_reduce_population_count3A_346 = tpu.all_reduce %ge3A_343 {dim = 0 : i64, kind = #tpu.reduction_kind<sum>} : vector<16xi1> -> vector<16xi32>
      %slice3A_347 = vector.extract_strided_slice %all_reduce_population_count3A_346 {offsets = [0], sizes = [1], strides = [1]} : vector<16xi32> to vector<1xi32>
      %squeeze3A_348 = vector.extract %slice3A_347[0] : i32 from vector<1xi32>
      %add3A_349 = arith.addi %add3A_334, %squeeze3A_348 : i32
      %scan3A_350 = arith.constant 5 : i32
      %scan3A_351 = arith.addi %scan3A_275, %scan3A_350 : i32
      %mul3A_352 = arith.constant 16 : i32
      %mul3A_353 = arith.muli %scan3A_351, %mul3A_352 : i32
      %get3A_354 = arith.index_cast %mul3A_353 : i32 to index
      %get3A_355 = tpu.vector_load %arg7[%get3A_354] {strides = array<i32>} : memref<62512xf32, #tpu.memory_space<vmem>>, vector<16xf32>,
      %ge3A_356 = arith.constant 0.000000e+00 : f32
      %ge3A_357 = vector.broadcast %ge3A_356 : f32 to vector<16xf32>
      %ge3A_358 = arith.cmpf oge, %get3A_355, %ge3A_357 : vector<16xf32>
      %swap3A_359 = arith.index_cast %add3A_349 : i32 to index
      %swap3A_360 = tpu.vector_load %arg9[%swap3A_359] masked %ge3A_358 {strides = array<i32>} : memref<16400xf32, #tpu.memory_space<vmem>>, vector<16xf32>, vector<16xi1>
      tpu.vector_store %arg9[%swap3A_359], %get3A_355 masked %ge3A_358 {strides = array<i32>} : memref<16400xf32, #tpu.memory_space<vmem>>, vector<16xf32>, vector<16xi1>
      %all_reduce_population_count3A_361 = tpu.all_reduce %ge3A_358 {dim = 0 : i64, kind = #tpu.reduction_kind<sum>} : vector<16xi1> -> vector<16xi32>
      %slice3A_362 = vector.extract_strided_slice %all_reduce_population_count3A_361 {offsets = [0], sizes = [1], strides = [1]} : vector<16xi32> to vector<1xi32>
      %squeeze3A_363 = vector.extract %slice3A_362[0] : i32 from vector<1xi32>
      %add3A_364 = arith.addi %add3A_349, %squeeze3A_363 : i32
      %scan3A_365 = arith.constant 6 : i32
      %scan3A_366 = arith.addi %scan3A_275, %scan3A_365 : i32
      %mul3A_367 = arith.constant 16 : i32
      %mul3A_368 = arith.muli %scan3A_366, %mul3A_367 : i32
      %get3A_369 = arith.index_cast %mul3A_368 : i32 to index
      %get3A_370 = tpu.vector_load %arg7[%get3A_369] {strides = array<i32>} : memref<62512xf32, #tpu.memory_space<vmem>>, vector<16xf32>,
      %ge3A_371 = arith.constant 0.000000e+00 : f32
      %ge3A_372 = vector.broadcast %ge3A_371 : f32 to vector<16xf32>
      %ge3A_373 = arith.cmpf oge, %get3A_370, %ge3A_372 : vector<16xf32>
      %swap3A_374 = arith.index_cast %add3A_364 : i32 to index
      %swap3A_375 = tpu.vector_load %arg9[%swap3A_374] masked %ge3A_373 {strides = array<i32>} : memref<16400xf32, #tpu.memory_space<vmem>>, vector<16xf32>, vector<16xi1>
      tpu.vector_store %arg9[%swap3A_374], %get3A_370 masked %ge3A_373 {strides = array<i32>} : memref<16400xf32, #tpu.memory_space<vmem>>, vector<16xf32>, vector<16xi1>
      %all_reduce_population_count3A_376 = tpu.all_reduce %ge3A_373 {dim = 0 : i64, kind = #tpu.reduction_kind<sum>} : vector<16xi1> -> vector<16xi32>
      %slice3A_377 = vector.extract_strided_slice %all_reduce_population_count3A_376 {offsets = [0], sizes = [1], strides = [1]} : vector<16xi32> to vector<1xi32>
      %squeeze3A_378 = vector.extract %slice3A_377[0] : i32 from vector<1xi32>
      %add3A_379 = arith.addi %add3A_364, %squeeze3A_378 : i32
      %scan3A_380 = arith.constant 7 : i32
      %scan3A_381 = arith.addi %scan3A_275, %scan3A_380 : i32
      %mul3A_382 = arith.constant 16 : i32
      %mul3A_383 = arith.muli %scan3A_381, %mul3A_382 : i32
      %get3A_384 = arith.index_cast %mul3A_383 : i32 to index
      %get3A_385 = tpu.vector_load %arg7[%get3A_384] {strides = array<i32>} : memref<62512xf32, #tpu.memory_space<vmem>>, vector<16xf32>,
      %ge3A_386 = arith.constant 0.000000e+00 : f32
      %ge3A_387 = vector.broadcast %ge3A_386 : f32 to vector<16xf32>
      %ge3A_388 = arith.cmpf oge, %get3A_385, %ge3A_387 : vector<16xf32>
      %swap3A_389 = arith.index_cast %add3A_379 : i32 to index
      %swap3A_390 = tpu.vector_load %arg9[%swap3A_389] masked %ge3A_388 {strides = array<i32>} : memref<16400xf32, #tpu.memory_space<vmem>>, vector<16xf32>, vector<16xi1>
      tpu.vector_store %arg9[%swap3A_389], %get3A_385 masked %ge3A_388 {strides = array<i32>} : memref<16400xf32, #tpu.memory_space<vmem>>, vector<16xf32>, vector<16xi1>
      %all_reduce_population_count3A_391 = tpu.all_reduce %ge3A_388 {dim = 0 : i64, kind = #tpu.reduction_kind<sum>} : vector<16xi1> -> vector<16xi32>
      %slice3A_392 = vector.extract_strided_slice %all_reduce_population_count3A_391 {offsets = [0], sizes = [1], strides = [1]} : vector<16xi32> to vector<1xi32>
      %squeeze3A_393 = vector.extract %slice3A_392[0] : i32 from vector<1xi32>
      %add3A_394 = arith.addi %add3A_379, %squeeze3A_393 : i32
      %scan3A_395 = arith.constant 8 : i32
      %scan3A_396 = arith.addi %scan3A_275, %scan3A_395 : i32
      %mul3A_397 = arith.constant 16 : i32
      %mul3A_398 = arith.muli %scan3A_396, %mul3A_397 : i32
      %get3A_399 = arith.index_cast %mul3A_398 : i32 to index
      %get3A_400 = tpu.vector_load %arg7[%get3A_399] {strides = array<i32>} : memref<62512xf32, #tpu.memory_space<vmem>>, vector<16xf32>,
      %ge3A_401 = arith.constant 0.000000e+00 : f32
      %ge3A_402 = vector.broadcast %ge3A_401 : f32 to vector<16xf32>
      %ge3A_403 = arith.cmpf oge, %get3A_400, %ge3A_402 : vector<16xf32>
      %swap3A_404 = arith.index_cast %add3A_394 : i32 to index
      %swap3A_405 = tpu.vector_load %arg9[%swap3A_404] masked %ge3A_403 {strides = array<i32>} : memref<16400xf32, #tpu.memory_space<vmem>>, vector<16xf32>, vector<16xi1>
      tpu.vector_store %arg9[%swap3A_404], %get3A_400 masked %ge3A_403 {strides = array<i32>} : memref<16400xf32, #tpu.memory_space<vmem>>, vector<16xf32>, vector<16xi1>
      %all_reduce_population_count3A_406 = tpu.all_reduce %ge3A_403 {dim = 0 : i64, kind = #tpu.reduction_kind<sum>} : vector<16xi1> -> vector<16xi32>
      %slice3A_407 = vector.extract_strided_slice %all_reduce_population_count3A_406 {offsets = [0], sizes = [1], strides = [1]} : vector<16xi32> to vector<1xi32>
      %squeeze3A_408 = vector.extract %slice3A_407[0] : i32 from vector<1xi32>
      %add3A_409 = arith.addi %add3A_394, %squeeze3A_408 : i32
      %scan3A_410 = arith.constant 9 : i32
      %scan3A_411 = arith.addi %scan3A_275, %scan3A_410 : i32
      %mul3A_412 = arith.constant 16 : i32
      %mul3A_413 = arith.muli %scan3A_411, %mul3A_412 : i32
      %get3A_414 = arith.index_cast %mul3A_413 : i32 to index
      %get3A_415 = tpu.vector_load %arg7[%get3A_414] {strides = array<i32>} : memref<62512xf32, #tpu.memory_space<vmem>>, vector<16xf32>,
      %ge3A_416 = arith.constant 0.000000e+00 : f32
      %ge3A_417 = vector.broadcast %ge3A_416 : f32 to vector<16xf32>
      %ge3A_418 = arith.cmpf oge, %get3A_415, %ge3A_417 : vector<16xf32>
      %swap3A_419 = arith.index_cast %add3A_409 : i32 to index
      %swap3A_420 = tpu.vector_load %arg9[%swap3A_419] masked %ge3A_418 {strides = array<i32>} : memref<16400xf32, #tpu.memory_space<vmem>>, vector<16xf32>, vector<16xi1>
      tpu.vector_store %arg9[%swap3A_419], %get3A_415 masked %ge3A_418 {strides = array<i32>} : memref<16400xf32, #tpu.memory_space<vmem>>, vector<16xf32>, vector<16xi1>
      %all_reduce_population_count3A_421 = tpu.all_reduce %ge3A_418 {dim = 0 : i64, kind = #tpu.reduction_kind<sum>} : vector<16xi1> -> vector<16xi32>
      %slice3A_422 = vector.extract_strided_slice %all_reduce_population_count3A_421 {offsets = [0], sizes = [1], strides = [1]} : vector<16xi32> to vector<1xi32>
      %squeeze3A_423 = vector.extract %slice3A_422[0] : i32 from vector<1xi32>
      %add3A_424 = arith.addi %add3A_409, %squeeze3A_423 : i32
      %scan3A_425 = arith.constant 10 : i32
      %scan3A_426 = arith.addi %scan3A_275, %scan3A_425 : i32
      %mul3A_427 = arith.constant 16 : i32
      %mul3A_428 = arith.muli %scan3A_426, %mul3A_427 : i32
      %get3A_429 = arith.index_cast %mul3A_428 : i32 to index
      %get3A_430 = tpu.vector_load %arg7[%get3A_429] {strides = array<i32>} : memref<62512xf32, #tpu.memory_space<vmem>>, vector<16xf32>,
      %ge3A_431 = arith.constant 0.000000e+00 : f32
      %ge3A_432 = vector.broadcast %ge3A_431 : f32 to vector<16xf32>
      %ge3A_433 = arith.cmpf oge, %get3A_430, %ge3A_432 : vector<16xf32>
      %swap3A_434 = arith.index_cast %add3A_424 : i32 to index
      %swap3A_435 = tpu.vector_load %arg9[%swap3A_434] masked %ge3A_433 {strides = array<i32>} : memref<16400xf32, #tpu.memory_space<vmem>>, vector<16xf32>, vector<16xi1>
      tpu.vector_store %arg9[%swap3A_434], %get3A_430 masked %ge3A_433 {strides = array<i32>} : memref<16400xf32, #tpu.memory_space<vmem>>, vector<16xf32>, vector<16xi1>
      %all_reduce_population_count3A_436 = tpu.all_reduce %ge3A_433 {dim = 0 : i64, kind = #tpu.reduction_kind<sum>} : vector<16xi1> -> vector<16xi32>
      %slice3A_437 = vector.extract_strided_slice %all_reduce_population_count3A_436 {offsets = [0], sizes = [1], strides = [1]} : vector<16xi32> to vector<1xi32>
      %squeeze3A_438 = vector.extract %slice3A_437[0] : i32 from vector<1xi32>
      %add3A_439 = arith.addi %add3A_424, %squeeze3A_438 : i32
      %scan3A_440 = arith.constant 11 : i32
      %scan3A_441 = arith.addi %scan3A_275, %scan3A_440 : i32
      %mul3A_442 = arith.constant 16 : i32
      %mul3A_443 = arith.muli %scan3A_441, %mul3A_442 : i32
      %get3A_444 = arith.index_cast %mul3A_443 : i32 to index
      %get3A_445 = tpu.vector_load %arg7[%get3A_444] {strides = array<i32>} : memref<62512xf32, #tpu.memory_space<vmem>>, vector<16xf32>,
      %ge3A_446 = arith.constant 0.000000e+00 : f32
      %ge3A_447 = vector.broadcast %ge3A_446 : f32 to vector<16xf32>
      %ge3A_448 = arith.cmpf oge, %get3A_445, %ge3A_447 : vector<16xf32>
      %swap3A_449 = arith.index_cast %add3A_439 : i32 to index
      %swap3A_450 = tpu.vector_load %arg9[%swap3A_449] masked %ge3A_448 {strides = array<i32>} : memref<16400xf32, #tpu.memory_space<vmem>>, vector<16xf32>, vector<16xi1>
      tpu.vector_store %arg9[%swap3A_449], %get3A_445 masked %ge3A_448 {strides = array<i32>} : memref<16400xf32, #tpu.memory_space<vmem>>, vector<16xf32>, vector<16xi1>
      %all_reduce_population_count3A_451 = tpu.all_reduce %ge3A_448 {dim = 0 : i64, kind = #tpu.reduction_kind<sum>} : vector<16xi1> -> vector<16xi32>
      %slice3A_452 = vector.extract_strided_slice %all_reduce_population_count3A_451 {offsets = [0], sizes = [1], strides = [1]} : vector<16xi32> to vector<1xi32>
      %squeeze3A_453 = vector.extract %slice3A_452[0] : i32 from vector<1xi32>
      %add3A_454 = arith.addi %add3A_439, %squeeze3A_453 : i32
      %scan3A_455 = arith.constant 12 : i32
      %scan3A_456 = arith.addi %scan3A_275, %scan3A_455 : i32
      %mul3A_457 = arith.constant 16 : i32
      %mul3A_458 = arith.muli %scan3A_456, %mul3A_457 : i32
      %get3A_459 = arith.index_cast %mul3A_458 : i32 to index
      %get3A_460 = tpu.vector_load %arg7[%get3A_459] {strides = array<i32>} : memref<62512xf32, #tpu.memory_space<vmem>>, vector<16xf32>,
      %ge3A_461 = arith.constant 0.000000e+00 : f32
      %ge3A_462 = vector.broadcast %ge3A_461 : f32 to vector<16xf32>
      %ge3A_463 = arith.cmpf oge, %get3A_460, %ge3A_462 : vector<16xf32>
      %swap3A_464 = arith.index_cast %add3A_454 : i32 to index
      %swap3A_465 = tpu.vector_load %arg9[%swap3A_464] masked %ge3A_463 {strides = array<i32>} : memref<16400xf32, #tpu.memory_space<vmem>>, vector<16xf32>, vector<16xi1>
      tpu.vector_store %arg9[%swap3A_464], %get3A_460 masked %ge3A_463 {strides = array<i32>} : memref<16400xf32, #tpu.memory_space<vmem>>, vector<16xf32>, vector<16xi1>
      %all_reduce_population_count3A_466 = tpu.all_reduce %ge3A_463 {dim = 0 : i64, kind = #tpu.reduction_kind<sum>} : vector<16xi1> -> vector<16xi32>
      %slice3A_467 = vector.extract_strided_slice %all_reduce_population_count3A_466 {offsets = [0], sizes = [1], strides = [1]} : vector<16xi32> to vector<1xi32>
      %squeeze3A_468 = vector.extract %slice3A_467[0] : i32 from vector<1xi32>
      %add3A_469 = arith.addi %add3A_454, %squeeze3A_468 : i32
      %scan3A_470 = arith.constant 13 : i32
      %scan3A_471 = arith.addi %scan3A_275, %scan3A_470 : i32
      %mul3A_472 = arith.constant 16 : i32
      %mul3A_473 = arith.muli %scan3A_471, %mul3A_472 : i32
      %get3A_474 = arith.index_cast %mul3A_473 : i32 to index
      %get3A_475 = tpu.vector_load %arg7[%get3A_474] {strides = array<i32>} : memref<62512xf32, #tpu.memory_space<vmem>>, vector<16xf32>,
      %ge3A_476 = arith.constant 0.000000e+00 : f32
      %ge3A_477 = vector.broadcast %ge3A_476 : f32 to vector<16xf32>
      %ge3A_478 = arith.cmpf oge, %get3A_475, %ge3A_477 : vector<16xf32>
      %swap3A_479 = arith.index_cast %add3A_469 : i32 to index
      %swap3A_480 = tpu.vector_load %arg9[%swap3A_479] masked %ge3A_478 {strides = array<i32>} : memref<16400xf32, #tpu.memory_space<vmem>>, vector<16xf32>, vector<16xi1>
      tpu.vector_store %arg9[%swap3A_479], %get3A_475 masked %ge3A_478 {strides = array<i32>} : memref<16400xf32, #tpu.memory_space<vmem>>, vector<16xf32>, vector<16xi1>
      %all_reduce_population_count3A_481 = tpu.all_reduce %ge3A_478 {dim = 0 : i64, kind = #tpu.reduction_kind<sum>} : vector<16xi1> -> vector<16xi32>
      %slice3A_482 = vector.extract_strided_slice %all_reduce_population_count3A_481 {offsets = [0], sizes = [1], strides = [1]} : vector<16xi32> to vector<1xi32>
      %squeeze3A_483 = vector.extract %slice3A_482[0] : i32 from vector<1xi32>
      %add3A_484 = arith.addi %add3A_469, %squeeze3A_483 : i32
      %scan3A_485 = arith.constant 14 : i32
      %scan3A_486 = arith.addi %scan3A_275, %scan3A_485 : i32
      %mul3A_487 = arith.constant 16 : i32
      %mul3A_488 = arith.muli %scan3A_486, %mul3A_487 : i32
      %get3A_489 = arith.index_cast %mul3A_488 : i32 to index
      %get3A_490 = tpu.vector_load %arg7[%get3A_489] {strides = array<i32>} : memref<62512xf32, #tpu.memory_space<vmem>>, vector<16xf32>,
      %ge3A_491 = arith.constant 0.000000e+00 : f32
      %ge3A_492 = vector.broadcast %ge3A_491 : f32 to vector<16xf32>
      %ge3A_493 = arith.cmpf oge, %get3A_490, %ge3A_492 : vector<16xf32>
      %swap3A_494 = arith.index_cast %add3A_484 : i32 to index
      %swap3A_495 = tpu.vector_load %arg9[%swap3A_494] masked %ge3A_493 {strides = array<i32>} : memref<16400xf32, #tpu.memory_space<vmem>>, vector<16xf32>, vector<16xi1>
      tpu.vector_store %arg9[%swap3A_494], %get3A_490 masked %ge3A_493 {strides = array<i32>} : memref<16400xf32, #tpu.memory_space<vmem>>, vector<16xf32>, vector<16xi1>
      %all_reduce_population_count3A_496 = tpu.all_reduce %ge3A_493 {dim = 0 : i64, kind = #tpu.reduction_kind<sum>} : vector<16xi1> -> vector<16xi32>
      %slice3A_497 = vector.extract_strided_slice %all_reduce_population_count3A_496 {offsets = [0], sizes = [1], strides = [1]} : vector<16xi32> to vector<1xi32>
      %squeeze3A_498 = vector.extract %slice3A_497[0] : i32 from vector<1xi32>
      %add3A_499 = arith.addi %add3A_484, %squeeze3A_498 : i32
      %scan3A_500 = arith.constant 15 : i32
      %scan3A_501 = arith.addi %scan3A_275, %scan3A_500 : i32
      %mul3A_502 = arith.constant 16 : i32
      %mul3A_503 = arith.muli %scan3A_501, %mul3A_502 : i32
      %get3A_504 = arith.index_cast %mul3A_503 : i32 to index
      %get3A_505 = tpu.vector_load %arg7[%get3A_504] {strides = array<i32>} : memref<62512xf32, #tpu.memory_space<vmem>>, vector<16xf32>,
      %ge3A_506 = arith.constant 0.000000e+00 : f32
      %ge3A_507 = vector.broadcast %ge3A_506 : f32 to vector<16xf32>
      %ge3A_508 = arith.cmpf oge, %get3A_505, %ge3A_507 : vector<16xf32>
      %swap3A_509 = arith.index_cast %add3A_499 : i32 to index
      %swap3A_510 = tpu.vector_load %arg9[%swap3A_509] masked %ge3A_508 {strides = array<i32>} : memref<16400xf32, #tpu.memory_space<vmem>>, vector<16xf32>, vector<16xi1>
      tpu.vector_store %arg9[%swap3A_509], %get3A_505 masked %ge3A_508 {strides = array<i32>} : memref<16400xf32, #tpu.memory_space<vmem>>, vector<16xf32>, vector<16xi1>
      %all_reduce_population_count3A_511 = tpu.all_reduce %ge3A_508 {dim = 0 : i64, kind = #tpu.reduction_kind<sum>} : vector<16xi1> -> vector<16xi32>
      %slice3A_512 = vector.extract_strided_slice %all_reduce_population_count3A_511 {offsets = [0], sizes = [1], strides = [1]} : vector<16xi32> to vector<1xi32>
      %squeeze3A_513 = vector.extract %slice3A_512[0] : i32 from vector<1xi32>
      %add3A_514 = arith.addi %add3A_499, %squeeze3A_513 : i32
      scf.yield %add3A_514 : i32
    }
    %scan3A_69 = arith.constant 3904 : i32
    %scan3A_70 = arith.addi %scan3A_64, %scan3A_69 : i32
    %mul3A_71 = arith.constant 16 : i32
    %mul3A_72 = arith.muli %scan3A_70, %mul3A_71 : i32
    %get3A = arith.index_cast %mul3A_72 : i32 to index
    %get3A_73 = tpu.vector_load %arg7[%get3A] {strides = array<i32>} : memref<62512xf32, #tpu.memory_space<vmem>>, vector<16xf32>,
    %ge3A = arith.constant 0.000000e+00 : f32
    %ge3A_74 = vector.broadcast %ge3A : f32 to vector<16xf32>
    %ge3A_75 = arith.cmpf oge, %get3A_73, %ge3A_74 : vector<16xf32>
    %swap3A_76 = arith.index_cast %scan3A_68 : i32 to index
    %swap3A_77 = tpu.vector_load %arg9[%swap3A_76] masked %ge3A_75 {strides = array<i32>} : memref<16400xf32, #tpu.memory_space<vmem>>, vector<16xf32>, vector<16xi1>
    tpu.vector_store %arg9[%swap3A_76], %get3A_73 masked %ge3A_75 {strides = array<i32>} : memref<16400xf32, #tpu.memory_space<vmem>>, vector<16xf32>, vector<16xi1>
    %all_reduce_population_count3A = tpu.all_reduce %ge3A_75 {dim = 0 : i64, kind = #tpu.reduction_kind<sum>} : vector<16xi1> -> vector<16xi32>
    %slice3A = vector.extract_strided_slice %all_reduce_population_count3A {offsets = [0], sizes = [1], strides = [1]} : vector<16xi32> to vector<1xi32>
    %squeeze3A = vector.extract %slice3A[0] : i32 from vector<1xi32>
    %add3A_78 = arith.addi %scan3A_68, %squeeze3A : i32
    %scan3A_79 = arith.constant 3905 : i32
    %scan3A_80 = arith.addi %scan3A_64, %scan3A_79 : i32
    %mul3A_81 = arith.constant 16 : i32
    %mul3A_82 = arith.muli %scan3A_80, %mul3A_81 : i32
    %get3A_83 = arith.index_cast %mul3A_82 : i32 to index
    %get3A_84 = tpu.vector_load %arg7[%get3A_83] {strides = array<i32>} : memref<62512xf32, #tpu.memory_space<vmem>>, vector<16xf32>,
    %ge3A_85 = arith.constant 0.000000e+00 : f32
    %ge3A_86 = vector.broadcast %ge3A_85 : f32 to vector<16xf32>
    %ge3A_87 = arith.cmpf oge, %get3A_84, %ge3A_86 : vector<16xf32>
    %swap3A_88 = arith.index_cast %add3A_78 : i32 to index
    %swap3A_89 = tpu.vector_load %arg9[%swap3A_88] masked %ge3A_87 {strides = array<i32>} : memref<16400xf32, #tpu.memory_space<vmem>>, vector<16xf32>, vector<16xi1>
    tpu.vector_store %arg9[%swap3A_88], %get3A_84 masked %ge3A_87 {strides = array<i32>} : memref<16400xf32, #tpu.memory_space<vmem>>, vector<16xf32>, vector<16xi1>
    %all_reduce_population_count3A_90 = tpu.all_reduce %ge3A_87 {dim = 0 : i64, kind = #tpu.reduction_kind<sum>} : vector<16xi1> -> vector<16xi32>
    %slice3A_91 = vector.extract_strided_slice %all_reduce_population_count3A_90 {offsets = [0], sizes = [1], strides = [1]} : vector<16xi32> to vector<1xi32>
    %squeeze3A_92 = vector.extract %slice3A_91[0] : i32 from vector<1xi32>
    %add3A_93 = arith.addi %add3A_78, %squeeze3A_92 : i32
    %scan3A_94 = arith.constant 3906 : i32
    %scan3A_95 = arith.addi %scan3A_64, %scan3A_94 : i32
    %mul3A_96 = arith.constant 16 : i32
    %mul3A_97 = arith.muli %scan3A_95, %mul3A_96 : i32
    %get3A_98 = arith.index_cast %mul3A_97 : i32 to index
    %get3A_99 = tpu.vector_load %arg7[%get3A_98] {strides = array<i32>} : memref<62512xf32, #tpu.memory_space<vmem>>, vector<16xf32>,
    %ge3A_100 = arith.constant 0.000000e+00 : f32
    %ge3A_101 = vector.broadcast %ge3A_100 : f32 to vector<16xf32>
    %ge3A_102 = arith.cmpf oge, %get3A_99, %ge3A_101 : vector<16xf32>
    %swap3A_103 = arith.index_cast %add3A_93 : i32 to index
    %swap3A_104 = tpu.vector_load %arg9[%swap3A_103] masked %ge3A_102 {strides = array<i32>} : memref<16400xf32, #tpu.memory_space<vmem>>, vector<16xf32>, vector<16xi1>
    tpu.vector_store %arg9[%swap3A_103], %get3A_99 masked %ge3A_102 {strides = array<i32>} : memref<16400xf32, #tpu.memory_space<vmem>>, vector<16xf32>, vector<16xi1>
    %all_reduce_population_count3A_105 = tpu.all_reduce %ge3A_102 {dim = 0 : i64, kind = #tpu.reduction_kind<sum>} : vector<16xi1> -> vector<16xi32>
    %slice3A_106 = vector.extract_strided_slice %all_reduce_population_count3A_105 {offsets = [0], sizes = [1], strides = [1]} : vector<16xi32> to vector<1xi32>
    %squeeze3A_107 = vector.extract %slice3A_106[0] : i32 from vector<1xi32>
    %add3A_108 = arith.addi %add3A_93, %squeeze3A_107 : i32
    %scan3A_109 = arith.constant 3907 : i32
    %broadcast_in_dim3A_110 = arith.constant 0 : i32
    %broadcast_in_dim3A_111 = vector.broadcast %broadcast_in_dim3A_110 : i32 to vector<16xi32>
    %add3A_112 = vector.broadcast %add3A_108 : i32 to vector<16xi32>
    %add3A_113 = arith.addi %broadcast_in_dim3A_111, %add3A_112 : vector<16xi32>
    %swap3A_114 = arith.constant 0 : index
    %swap3A_115 = tpu.vector_load %arg10[%swap3A_114] {strides = array<i32>} : memref<16xi32, #tpu.memory_space<vmem>>, vector<16xi32>,
    tpu.vector_store %arg10[%swap3A_114], %add3A_113 {strides = array<i32>} : memref<16xi32, #tpu.memory_space<vmem>>, vector<16xi32>,
    "tpu.region"() ({
      %run_scoped3A = tpu.sem_alloc : memref<!tpu.dma_semaphore, #tpu.memory_space<semaphore_mem>>
      %dma_start3A = arith.constant 0 : i32
      %dma_start3A_275 = tpu.memref_slice %arg15[%arg1, %dma_start3A] : memref<16x16xi32, #tpu.memory_space<vmem_shared>> -> memref<1x16xi32, #tpu.memory_space<vmem_shared>>
      %dma_start3A_276 = tpu.memref_squeeze %dma_start3A_275 : memref<1x16xi32, #tpu.memory_space<vmem_shared>> -> memref<16xi32, #tpu.memory_space<vmem_shared>>
      %dma_start3A_277 = arith.constant 0 : i32
      %dma_start3A_278 = tpu.memref_slice %arg15[%arg1, %dma_start3A_277] : memref<16x16xi32, #tpu.memory_space<vmem_shared>> -> memref<1x16xi32, #tpu.memory_space<vmem_shared>>
      %dma_start3A_279 = tpu.memref_squeeze %dma_start3A_278 : memref<1x16xi32, #tpu.memory_space<vmem_shared>> -> memref<16xi32, #tpu.memory_space<vmem_shared>>
      tpu.enqueue_dma source(%arg10 : memref<16xi32, #tpu.memory_space<vmem>>) target(%dma_start3A_279 : memref<16xi32, #tpu.memory_space<vmem_shared>>) target_semaphore(%run_scoped3A : memref<!tpu.dma_semaphore, #tpu.memory_space<semaphore_mem>>)
      %dma_wait3A = arith.constant 0 : i32
      %dma_wait3A_280 = tpu.memref_slice %arg15[%arg1, %dma_wait3A] : memref<16x16xi32, #tpu.memory_space<vmem_shared>> -> memref<1x16xi32, #tpu.memory_space<vmem_shared>>
      %dma_wait3A_281 = tpu.memref_squeeze %dma_wait3A_280 : memref<1x16xi32, #tpu.memory_space<vmem_shared>> -> memref<16xi32, #tpu.memory_space<vmem_shared>>
      %dma_wait3A_282 = arith.constant 0 : i32
      %dma_wait3A_283 = tpu.memref_slice %arg15[%arg1, %dma_wait3A_282] : memref<16x16xi32, #tpu.memory_space<vmem_shared>> -> memref<1x16xi32, #tpu.memory_space<vmem_shared>>
      %dma_wait3A_284 = tpu.memref_squeeze %dma_wait3A_283 : memref<1x16xi32, #tpu.memory_space<vmem_shared>> -> memref<16xi32, #tpu.memory_space<vmem_shared>>
      tpu.wait_dma2 semaphore(%run_scoped3A : memref<!tpu.dma_semaphore, #tpu.memory_space<semaphore_mem>>) src(%arg10 : memref<16xi32, #tpu.memory_space<vmem>>) dst(%dma_wait3A_284 : memref<16xi32, #tpu.memory_space<vmem_shared>>)
      tpu.yield
    }) : () -> ()
    %barrier3A = arith.constant 0 : index
    tpu.barrier barrier_id(%barrier3A)
    "tpu.region"() ({
      %run_scoped3A = tpu.sem_alloc : memref<!tpu.dma_semaphore, #tpu.memory_space<semaphore_mem>>
      tpu.enqueue_dma source(%arg15 : memref<16x16xi32, #tpu.memory_space<vmem_shared>>) target(%arg11 : memref<16x16xi32, #tpu.memory_space<vmem>>) target_semaphore(%run_scoped3A : memref<!tpu.dma_semaphore, #tpu.memory_space<semaphore_mem>>)
      tpu.wait_dma2 semaphore(%run_scoped3A : memref<!tpu.dma_semaphore, #tpu.memory_space<semaphore_mem>>) src(%arg15 : memref<16x16xi32, #tpu.memory_space<vmem_shared>>) dst(%arg11 : memref<16x16xi32, #tpu.memory_space<vmem>>)
      tpu.yield
    }) : () -> ()
    %mul3A_116 = arith.constant 0 : i32
    %mul3A_117 = vector.broadcast %mul3A_116 : i32 to vector<16xi32>
    %mul3A_118 = arith.muli %iota3A, %mul3A_117 : vector<16xi32>
    %gather3A = tpu.vector_load_idx %arg11[%iota3A, %mul3A_118] : memref<16x16xi32, #tpu.memory_space<vmem>>[vector<16xi32>, vector<16xi32>], vector<16xi32>,
    %lt3A = vector.broadcast %arg1 : i32 to vector<16xi32>
    %lt3A_119 = arith.cmpi slt, %iota3A, %lt3A : vector<16xi32>
    %jit3A_120 = arith.constant 0 : i32
    %broadcast_in_dim3A_121 = vector.broadcast %jit3A_120 : i32 to vector<16xi32>
    %select_n3A_122 = arith.select %lt3A_119, %gather3A, %broadcast_in_dim3A_121 : vector<16xi1>, vector<16xi32>
    %reduce_sum3A = arith.constant true
    %reduce_sum3A_123 = vector.broadcast %reduce_sum3A : i1 to vector<16xi1>
    %reduce_sum3A_124 = tpu.scan <sum>, %select_n3A_122 masked %reduce_sum3A_123 : vector<16xi32>, vector<16xi1> -> vector<16xi32>
    %reduce_sum3A_125 = vector.extract %reduce_sum3A_124[15] : i32 from vector<16xi32>
    %reduce_sum3A_126 = arith.constant true
    %reduce_sum3A_127 = vector.broadcast %reduce_sum3A_126 : i1 to vector<16xi1>
    %reduce_sum3A_128 = tpu.scan <sum>, %gather3A masked %reduce_sum3A_127 : vector<16xi32>, vector<16xi1> -> vector<16xi32>
    %reduce_sum3A_129 = vector.extract %reduce_sum3A_128[15] : i32 from vector<16xi32>
    %add3A_130 = arith.constant 15 : i32
    %add3A_131 = arith.addi %add3A_108, %add3A_130 : i32
    %jit3A_132 = arith.constant 16 : i32
    %div3A_133 = arith.divsi %add3A_131, %jit3A_132 : i32
    %sign3A_134 = arith.constant 0 : i32
    %sign3A_135 = arith.cmpi sgt, %add3A_131, %sign3A_134 : i32
    %sign3A_136 = arith.extui %sign3A_135 : i1 to i32
    %sign3A_137 = arith.constant 0 : i32
    %sign3A_138 = arith.cmpi slt, %add3A_131, %sign3A_137 : i32
    %sign3A_139 = arith.extui %sign3A_138 : i1 to i32
    %sign3A_140 = arith.subi %sign3A_136, %sign3A_139 : i32
    %sign3A_141 = arith.constant 0 : i32
    %sign3A_142 = arith.cmpi sgt, %jit3A_132, %sign3A_141 : i32
    %sign3A_143 = arith.extui %sign3A_142 : i1 to i32
    %sign3A_144 = arith.constant 0 : i32
    %sign3A_145 = arith.cmpi slt, %jit3A_132, %sign3A_144 : i32
    %sign3A_146 = arith.extui %sign3A_145 : i1 to i32
    %sign3A_147 = arith.subi %sign3A_143, %sign3A_146 : i32
    %ne3A_148 = arith.cmpi ne, %sign3A_140, %sign3A_147 : i32
    %rem3A_149 = arith.remsi %add3A_131, %jit3A_132 : i32
    %ne3A_150 = arith.constant 0 : i32
    %ne3A_151 = arith.cmpi ne, %rem3A_149, %ne3A_150 : i32
    %and3A_152 = arith.andi %ne3A_148, %ne3A_151 : i1
    %sub3A_153 = arith.constant 1 : i32
    %sub3A_154 = arith.subi %div3A_133, %sub3A_153 : i32
    %select_n3A_155 = arith.select %and3A_152, %sub3A_154, %div3A_133 : i32
    %while3A_156 = arith.constant 0 : i32
    %while3A_157 = arith.constant 0 : i32
    %while3A_158 = arith.subi %select_n3A_155, %while3A_156 : i32
    %while3A_159 = arith.addi %while3A_156, %while3A_158 : i32
    %while3A_160 = arith.constant 1 : i32
    %while3A_161 = arith.divsi %while3A_158, %while3A_160 : i32
    %while3A_162 = arith.muli %while3A_161, %while3A_160 : i32
    %while3A_163 = arith.addi %while3A_156, %while3A_162 : i32
    %while3A_164 = arith.constant 1 : i32
    %while3A_165 = scf.for %while3A_275 = %while3A_156 to %while3A_163 step %while3A_164 iter_args(%while3A_276 = %while3A_157) -> (i32)  : i32 {
      %mul3A_277 = arith.constant 16 : i32
      %mul3A_278 = arith.muli %while3A_275, %mul3A_277 : i32
      %add3A_279 = arith.addi %reduce_sum3A_125, %mul3A_278 : i32
      %add3A_280 = vector.broadcast %add3A_279 : i32 to vector<16xi32>
      %add3A_281 = arith.addi %add3A_280, %iota3A : vector<16xi32>
      %mul3A_282 = arith.constant 16 : i32
      %mul3A_283 = arith.muli %while3A_275, %mul3A_282 : i32
      %add3A_284 = vector.broadcast %mul3A_283 : i32 to vector<16xi32>
      %add3A_285 = arith.addi %add3A_284, %iota3A : vector<16xi32>
      %lt3A_286 = vector.broadcast %add3A_108 : i32 to vector<16xi32>
      %lt3A_287 = arith.cmpi slt, %add3A_285, %lt3A_286 : vector<16xi32>
      %add3A_288 = arith.constant 16384 : i32
      %add3A_289 = vector.broadcast %add3A_288 : i32 to vector<16xi32>
      %add3A_290 = arith.addi %add3A_289, %iota3A : vector<16xi32>
      %select_n3A_291 = arith.select %lt3A_287, %add3A_281, %add3A_290 : vector<16xi1>, vector<16xi32>
      %mul3A_292 = arith.constant 16 : i32
      %mul3A_293 = arith.muli %while3A_275, %mul3A_292 : i32
      %dma_start3A = tpu.memref_slice %arg9[%mul3A_293] : memref<16400xf32, #tpu.memory_space<vmem>> -> memref<16xf32, #tpu.memory_space<vmem>>
      %dma_start3A_294 = arith.constant 0 : i32
      %dma_start3A_295 = tpu.memref_slice %arg16[%dma_start3A_294] : memref<16640xf32, #tpu.memory_space<vmem_shared>> -> memref<16640xf32, #tpu.memory_space<vmem_shared>>
      tpu.enqueue_indirect_dma source(%dma_start3A : memref<16xf32, #tpu.memory_space<vmem>>) target(%dma_start3A_295 : memref<16640xf32, #tpu.memory_space<vmem_shared>>) offsets(%select_n3A_291 : vector<16xi32>) semaphore(%arg14 : memref<!tpu.dma_semaphore, #tpu.memory_space<semaphore_mem>>)
      %while3A_296 = arith.constant 0 : i32
      scf.yield %while3A_296 : i32
    }
    %while3A_166 = arith.constant 1 : i32
    %while3A_167 = scf.for %while3A_275 = %while3A_163 to %while3A_159 step %while3A_166 iter_args(%while3A_276 = %while3A_165) -> (i32)  : i32 {
      %mul3A_277 = arith.constant 16 : i32
      %mul3A_278 = arith.muli %while3A_275, %mul3A_277 : i32
      %add3A_279 = arith.addi %reduce_sum3A_125, %mul3A_278 : i32
      %add3A_280 = vector.broadcast %add3A_279 : i32 to vector<16xi32>
      %add3A_281 = arith.addi %add3A_280, %iota3A : vector<16xi32>
      %mul3A_282 = arith.constant 16 : i32
      %mul3A_283 = arith.muli %while3A_275, %mul3A_282 : i32
      %add3A_284 = vector.broadcast %mul3A_283 : i32 to vector<16xi32>
      %add3A_285 = arith.addi %add3A_284, %iota3A : vector<16xi32>
      %lt3A_286 = vector.broadcast %add3A_108 : i32 to vector<16xi32>
      %lt3A_287 = arith.cmpi slt, %add3A_285, %lt3A_286 : vector<16xi32>
      %add3A_288 = arith.constant 16384 : i32
      %add3A_289 = vector.broadcast %add3A_288 : i32 to vector<16xi32>
      %add3A_290 = arith.addi %add3A_289, %iota3A : vector<16xi32>
      %select_n3A_291 = arith.select %lt3A_287, %add3A_281, %add3A_290 : vector<16xi1>, vector<16xi32>
      %mul3A_292 = arith.constant 16 : i32
      %mul3A_293 = arith.muli %while3A_275, %mul3A_292 : i32
      %dma_start3A = tpu.memref_slice %arg9[%mul3A_293] : memref<16400xf32, #tpu.memory_space<vmem>> -> memref<16xf32, #tpu.memory_space<vmem>>
      %dma_start3A_294 = arith.constant 0 : i32
      %dma_start3A_295 = tpu.memref_slice %arg16[%dma_start3A_294] : memref<16640xf32, #tpu.memory_space<vmem_shared>> -> memref<16640xf32, #tpu.memory_space<vmem_shared>>
      tpu.enqueue_indirect_dma source(%dma_start3A : memref<16xf32, #tpu.memory_space<vmem>>) target(%dma_start3A_295 : memref<16640xf32, #tpu.memory_space<vmem_shared>>) offsets(%select_n3A_291 : vector<16xi32>) semaphore(%arg14 : memref<!tpu.dma_semaphore, #tpu.memory_space<semaphore_mem>>)
      %while3A_296 = arith.constant 0 : i32
      scf.yield %while3A_296 : i32
    }
    %while3A_168 = arith.constant 0 : i32
    %while3A_169 = arith.constant 0 : i32
    %while3A_170 = arith.subi %select_n3A_155, %while3A_168 : i32
    %while3A_171 = arith.addi %while3A_168, %while3A_170 : i32
    %while3A_172 = arith.constant 1 : i32
    %while3A_173 = arith.divsi %while3A_170, %while3A_172 : i32
    %while3A_174 = arith.muli %while3A_173, %while3A_172 : i32
    %while3A_175 = arith.addi %while3A_168, %while3A_174 : i32
    %while3A_176 = arith.constant 1 : i32
    %while3A_177 = scf.for %while3A_275 = %while3A_168 to %while3A_175 step %while3A_176 iter_args(%while3A_276 = %while3A_169) -> (i32)  : i32 {
      %mul3A_277 = arith.constant 16 : i32
      %mul3A_278 = arith.muli %while3A_275, %mul3A_277 : i32
      %add3A_279 = arith.addi %reduce_sum3A_125, %mul3A_278 : i32
      %add3A_280 = vector.broadcast %add3A_279 : i32 to vector<16xi32>
      %add3A_281 = arith.addi %add3A_280, %iota3A : vector<16xi32>
      %mul3A_282 = arith.constant 16 : i32
      %mul3A_283 = arith.muli %while3A_275, %mul3A_282 : i32
      %add3A_284 = vector.broadcast %mul3A_283 : i32 to vector<16xi32>
      %add3A_285 = arith.addi %add3A_284, %iota3A : vector<16xi32>
      %lt3A_286 = vector.broadcast %add3A_108 : i32 to vector<16xi32>
      %lt3A_287 = arith.cmpi slt, %add3A_285, %lt3A_286 : vector<16xi32>
      %add3A_288 = arith.constant 16384 : i32
      %add3A_289 = vector.broadcast %add3A_288 : i32 to vector<16xi32>
      %add3A_290 = arith.addi %add3A_289, %iota3A : vector<16xi32>
      %select_n3A_291 = arith.select %lt3A_287, %add3A_281, %add3A_290 : vector<16xi1>, vector<16xi32>
      %mul3A_292 = arith.constant 16 : i32
      %mul3A_293 = arith.muli %while3A_275, %mul3A_292 : i32
      %dma_wait3A = tpu.memref_slice %arg9[%mul3A_293] : memref<16400xf32, #tpu.memory_space<vmem>> -> memref<16xf32, #tpu.memory_space<vmem>>
      %dma_wait3A_294 = arith.constant 0 : i32
      %dma_wait3A_295 = tpu.memref_slice %arg16[%dma_wait3A_294] : memref<16640xf32, #tpu.memory_space<vmem_shared>> -> memref<16640xf32, #tpu.memory_space<vmem_shared>>
      tpu.wait_indirect_dma semaphore(%arg14 : memref<!tpu.dma_semaphore, #tpu.memory_space<semaphore_mem>>) src(%dma_wait3A : memref<16xf32, #tpu.memory_space<vmem>>) dst(%dma_wait3A_295 : memref<16640xf32, #tpu.memory_space<vmem_shared>>)
      %while3A_296 = arith.constant 0 : i32
      scf.yield %while3A_296 : i32
    }
    %while3A_178 = arith.constant 1 : i32
    %while3A_179 = scf.for %while3A_275 = %while3A_175 to %while3A_171 step %while3A_178 iter_args(%while3A_276 = %while3A_177) -> (i32)  : i32 {
      %mul3A_277 = arith.constant 16 : i32
      %mul3A_278 = arith.muli %while3A_275, %mul3A_277 : i32
      %add3A_279 = arith.addi %reduce_sum3A_125, %mul3A_278 : i32
      %add3A_280 = vector.broadcast %add3A_279 : i32 to vector<16xi32>
      %add3A_281 = arith.addi %add3A_280, %iota3A : vector<16xi32>
      %mul3A_282 = arith.constant 16 : i32
      %mul3A_283 = arith.muli %while3A_275, %mul3A_282 : i32
      %add3A_284 = vector.broadcast %mul3A_283 : i32 to vector<16xi32>
      %add3A_285 = arith.addi %add3A_284, %iota3A : vector<16xi32>
      %lt3A_286 = vector.broadcast %add3A_108 : i32 to vector<16xi32>
      %lt3A_287 = arith.cmpi slt, %add3A_285, %lt3A_286 : vector<16xi32>
      %add3A_288 = arith.constant 16384 : i32
      %add3A_289 = vector.broadcast %add3A_288 : i32 to vector<16xi32>
      %add3A_290 = arith.addi %add3A_289, %iota3A : vector<16xi32>
      %select_n3A_291 = arith.select %lt3A_287, %add3A_281, %add3A_290 : vector<16xi1>, vector<16xi32>
      %mul3A_292 = arith.constant 16 : i32
      %mul3A_293 = arith.muli %while3A_275, %mul3A_292 : i32
      %dma_wait3A = tpu.memref_slice %arg9[%mul3A_293] : memref<16400xf32, #tpu.memory_space<vmem>> -> memref<16xf32, #tpu.memory_space<vmem>>
      %dma_wait3A_294 = arith.constant 0 : i32
      %dma_wait3A_295 = tpu.memref_slice %arg16[%dma_wait3A_294] : memref<16640xf32, #tpu.memory_space<vmem_shared>> -> memref<16640xf32, #tpu.memory_space<vmem_shared>>
      tpu.wait_indirect_dma semaphore(%arg14 : memref<!tpu.dma_semaphore, #tpu.memory_space<semaphore_mem>>) src(%dma_wait3A : memref<16xf32, #tpu.memory_space<vmem>>) dst(%dma_wait3A_295 : memref<16640xf32, #tpu.memory_space<vmem_shared>>)
      %while3A_296 = arith.constant 0 : i32
      scf.yield %while3A_296 : i32
    }
    %broadcast_in_dim3A_180 = arith.constant 0.000000e+00 : f32
    %broadcast_in_dim3A_181 = vector.broadcast %broadcast_in_dim3A_180 : f32 to vector<16xf32>
    %swap3A_182 = arith.constant 0 : index
    %swap3A_183 = tpu.vector_load %arg12[%swap3A_182] {strides = array<i32>} : memref<16xf32, #tpu.memory_space<vmem>>, vector<16xf32>,
    tpu.vector_store %arg12[%swap3A_182], %broadcast_in_dim3A_181 {strides = array<i32>} : memref<16xf32, #tpu.memory_space<vmem>>, vector<16xf32>,
    %sub3A_184 = arith.constant 16640 : i32
    %sub3A_185 = arith.subi %sub3A_184, %reduce_sum3A_129 : i32
    %add3A_186 = arith.constant 16 : i32
    %add3A_187 = arith.addi %sub3A_185, %add3A_186 : i32
    %sub3A_188 = arith.constant 1 : i32
    %sub3A_189 = arith.subi %add3A_187, %sub3A_188 : i32
    %jit3A_190 = arith.constant 16 : i32
    %div3A_191 = arith.divsi %sub3A_189, %jit3A_190 : i32
    %sign3A_192 = arith.constant 0 : i32
    %sign3A_193 = arith.cmpi sgt, %sub3A_189, %sign3A_192 : i32
    %sign3A_194 = arith.extui %sign3A_193 : i1 to i32
    %sign3A_195 = arith.constant 0 : i32
    %sign3A_196 = arith.cmpi slt, %sub3A_189, %sign3A_195 : i32
    %sign3A_197 = arith.extui %sign3A_196 : i1 to i32
    %sign3A_198 = arith.subi %sign3A_194, %sign3A_197 : i32
    %sign3A_199 = arith.constant 0 : i32
    %sign3A_200 = arith.cmpi sgt, %jit3A_190, %sign3A_199 : i32
    %sign3A_201 = arith.extui %sign3A_200 : i1 to i32
    %sign3A_202 = arith.constant 0 : i32
    %sign3A_203 = arith.cmpi slt, %jit3A_190, %sign3A_202 : i32
    %sign3A_204 = arith.extui %sign3A_203 : i1 to i32
    %sign3A_205 = arith.subi %sign3A_201, %sign3A_204 : i32
    %ne3A_206 = arith.cmpi ne, %sign3A_198, %sign3A_205 : i32
    %rem3A_207 = arith.remsi %sub3A_189, %jit3A_190 : i32
    %ne3A_208 = arith.constant 0 : i32
    %ne3A_209 = arith.cmpi ne, %rem3A_207, %ne3A_208 : i32
    %and3A_210 = arith.andi %ne3A_206, %ne3A_209 : i1
    %sub3A_211 = arith.constant 1 : i32
    %sub3A_212 = arith.subi %div3A_191, %sub3A_211 : i32
    %select_n3A_213 = arith.select %and3A_210, %sub3A_212, %div3A_191 : i32
    %mul3A_214 = arith.muli %arg1, %select_n3A_213 : i32
    %add3A_215 = arith.addi %reduce_sum3A_129, %mul3A_214 : i32
    %add3A_216 = arith.addi %add3A_215, %select_n3A_213 : i32
    %min3A = arith.constant 16640 : i32
    %min3A_217 = arith.minsi %add3A_216, %min3A : i32
    %sub3A_218 = arith.subi %min3A_217, %add3A_215 : i32
    %add3A_219 = arith.constant 15 : i32
    %add3A_220 = arith.addi %sub3A_218, %add3A_219 : i32
    %jit3A_221 = arith.constant 16 : i32
    %div3A_222 = arith.divsi %add3A_220, %jit3A_221 : i32
    %sign3A_223 = arith.constant 0 : i32
    %sign3A_224 = arith.cmpi sgt, %add3A_220, %sign3A_223 : i32
    %sign3A_225 = arith.extui %sign3A_224 : i1 to i32
    %sign3A_226 = arith.constant 0 : i32
    %sign3A_227 = arith.cmpi slt, %add3A_220, %sign3A_226 : i32
    %sign3A_228 = arith.extui %sign3A_227 : i1 to i32
    %sign3A_229 = arith.subi %sign3A_225, %sign3A_228 : i32
    %sign3A_230 = arith.constant 0 : i32
    %sign3A_231 = arith.cmpi sgt, %jit3A_221, %sign3A_230 : i32
    %sign3A_232 = arith.extui %sign3A_231 : i1 to i32
    %sign3A_233 = arith.constant 0 : i32
    %sign3A_234 = arith.cmpi slt, %jit3A_221, %sign3A_233 : i32
    %sign3A_235 = arith.extui %sign3A_234 : i1 to i32
    %sign3A_236 = arith.subi %sign3A_232, %sign3A_235 : i32
    %ne3A_237 = arith.cmpi ne, %sign3A_229, %sign3A_236 : i32
    %rem3A_238 = arith.remsi %add3A_220, %jit3A_221 : i32
    %ne3A_239 = arith.constant 0 : i32
    %ne3A_240 = arith.cmpi ne, %rem3A_238, %ne3A_239 : i32
    %and3A_241 = arith.andi %ne3A_237, %ne3A_240 : i1
    %sub3A_242 = arith.constant 1 : i32
    %sub3A_243 = arith.subi %div3A_222, %sub3A_242 : i32
    %select_n3A_244 = arith.select %and3A_241, %sub3A_243, %div3A_222 : i32
    %max3A = arith.constant 0 : i32
    %max3A_245 = arith.maxsi %select_n3A_244, %max3A : i32
    %while3A_246 = arith.constant 0 : i32
    %while3A_247 = arith.constant 0 : i32
    %while3A_248 = arith.subi %max3A_245, %while3A_246 : i32
    %while3A_249 = arith.addi %while3A_246, %while3A_248 : i32
    %while3A_250 = arith.constant 1 : i32
    %while3A_251 = arith.divsi %while3A_248, %while3A_250 : i32
    %while3A_252 = arith.muli %while3A_251, %while3A_250 : i32
    %while3A_253 = arith.addi %while3A_246, %while3A_252 : i32
    %while3A_254 = arith.constant 1 : i32
    %while3A_255 = scf.for %while3A_275 = %while3A_246 to %while3A_253 step %while3A_254 iter_args(%while3A_276 = %while3A_247) -> (i32)  : i32 {
      %mul3A_277 = arith.constant 16 : i32
      %mul3A_278 = arith.muli %while3A_275, %mul3A_277 : i32
      %add3A_279 = arith.addi %add3A_215, %mul3A_278 : i32
      %add3A_280 = vector.broadcast %add3A_279 : i32 to vector<16xi32>
      %add3A_281 = arith.addi %add3A_280, %iota3A : vector<16xi32>
      %lt3A_282 = vector.broadcast %min3A_217 : i32 to vector<16xi32>
      %lt3A_283 = arith.cmpi slt, %add3A_281, %lt3A_282 : vector<16xi32>
      %add3A_284 = arith.constant 16384 : i32
      %add3A_285 = vector.broadcast %add3A_284 : i32 to vector<16xi32>
      %add3A_286 = arith.addi %add3A_285, %iota3A : vector<16xi32>
      %select_n3A_287 = arith.select %lt3A_283, %add3A_281, %add3A_286 : vector<16xi1>, vector<16xi32>
      %dma_start3A = arith.constant 0 : i32
      %dma_start3A_288 = tpu.memref_slice %arg16[%dma_start3A] : memref<16640xf32, #tpu.memory_space<vmem_shared>> -> memref<16640xf32, #tpu.memory_space<vmem_shared>>
      tpu.enqueue_indirect_dma source(%arg12 : memref<16xf32, #tpu.memory_space<vmem>>) target(%dma_start3A_288 : memref<16640xf32, #tpu.memory_space<vmem_shared>>) offsets(%select_n3A_287 : vector<16xi32>) semaphore(%arg14 : memref<!tpu.dma_semaphore, #tpu.memory_space<semaphore_mem>>)
      %while3A_289 = arith.constant 0 : i32
      scf.yield %while3A_289 : i32
    }
    %while3A_256 = arith.constant 1 : i32
    %while3A_257 = scf.for %while3A_275 = %while3A_253 to %while3A_249 step %while3A_256 iter_args(%while3A_276 = %while3A_255) -> (i32)  : i32 {
      %mul3A_277 = arith.constant 16 : i32
      %mul3A_278 = arith.muli %while3A_275, %mul3A_277 : i32
      %add3A_279 = arith.addi %add3A_215, %mul3A_278 : i32
      %add3A_280 = vector.broadcast %add3A_279 : i32 to vector<16xi32>
      %add3A_281 = arith.addi %add3A_280, %iota3A : vector<16xi32>
      %lt3A_282 = vector.broadcast %min3A_217 : i32 to vector<16xi32>
      %lt3A_283 = arith.cmpi slt, %add3A_281, %lt3A_282 : vector<16xi32>
      %add3A_284 = arith.constant 16384 : i32
      %add3A_285 = vector.broadcast %add3A_284 : i32 to vector<16xi32>
      %add3A_286 = arith.addi %add3A_285, %iota3A : vector<16xi32>
      %select_n3A_287 = arith.select %lt3A_283, %add3A_281, %add3A_286 : vector<16xi1>, vector<16xi32>
      %dma_start3A = arith.constant 0 : i32
      %dma_start3A_288 = tpu.memref_slice %arg16[%dma_start3A] : memref<16640xf32, #tpu.memory_space<vmem_shared>> -> memref<16640xf32, #tpu.memory_space<vmem_shared>>
      tpu.enqueue_indirect_dma source(%arg12 : memref<16xf32, #tpu.memory_space<vmem>>) target(%dma_start3A_288 : memref<16640xf32, #tpu.memory_space<vmem_shared>>) offsets(%select_n3A_287 : vector<16xi32>) semaphore(%arg14 : memref<!tpu.dma_semaphore, #tpu.memory_space<semaphore_mem>>)
      %while3A_289 = arith.constant 0 : i32
      scf.yield %while3A_289 : i32
    }
    %while3A_258 = arith.constant 0 : i32
    %while3A_259 = arith.constant 0 : i32
    %while3A_260 = arith.subi %max3A_245, %while3A_258 : i32
    %while3A_261 = arith.addi %while3A_258, %while3A_260 : i32
    %while3A_262 = arith.constant 1 : i32
    %while3A_263 = arith.divsi %while3A_260, %while3A_262 : i32
    %while3A_264 = arith.muli %while3A_263, %while3A_262 : i32
    %while3A_265 = arith.addi %while3A_258, %while3A_264 : i32
    %while3A_266 = arith.constant 1 : i32
    %while3A_267 = scf.for %while3A_275 = %while3A_258 to %while3A_265 step %while3A_266 iter_args(%while3A_276 = %while3A_259) -> (i32)  : i32 {
      %mul3A_277 = arith.constant 16 : i32
      %mul3A_278 = arith.muli %while3A_275, %mul3A_277 : i32
      %add3A_279 = arith.addi %add3A_215, %mul3A_278 : i32
      %add3A_280 = vector.broadcast %add3A_279 : i32 to vector<16xi32>
      %add3A_281 = arith.addi %add3A_280, %iota3A : vector<16xi32>
      %lt3A_282 = vector.broadcast %min3A_217 : i32 to vector<16xi32>
      %lt3A_283 = arith.cmpi slt, %add3A_281, %lt3A_282 : vector<16xi32>
      %add3A_284 = arith.constant 16384 : i32
      %add3A_285 = vector.broadcast %add3A_284 : i32 to vector<16xi32>
      %add3A_286 = arith.addi %add3A_285, %iota3A : vector<16xi32>
      %select_n3A_287 = arith.select %lt3A_283, %add3A_281, %add3A_286 : vector<16xi1>, vector<16xi32>
      %dma_wait3A = arith.constant 0 : i32
      %dma_wait3A_288 = tpu.memref_slice %arg16[%dma_wait3A] : memref<16640xf32, #tpu.memory_space<vmem_shared>> -> memref<16640xf32, #tpu.memory_space<vmem_shared>>
      tpu.wait_indirect_dma semaphore(%arg14 : memref<!tpu.dma_semaphore, #tpu.memory_space<semaphore_mem>>) src(%arg12 : memref<16xf32, #tpu.memory_space<vmem>>) dst(%dma_wait3A_288 : memref<16640xf32, #tpu.memory_space<vmem_shared>>)
      %while3A_289 = arith.constant 0 : i32
      scf.yield %while3A_289 : i32
    }
    %while3A_268 = arith.constant 1 : i32
    %while3A_269 = scf.for %while3A_275 = %while3A_265 to %while3A_261 step %while3A_268 iter_args(%while3A_276 = %while3A_267) -> (i32)  : i32 {
      %mul3A_277 = arith.constant 16 : i32
      %mul3A_278 = arith.muli %while3A_275, %mul3A_277 : i32
      %add3A_279 = arith.addi %add3A_215, %mul3A_278 : i32
      %add3A_280 = vector.broadcast %add3A_279 : i32 to vector<16xi32>
      %add3A_281 = arith.addi %add3A_280, %iota3A : vector<16xi32>
      %lt3A_282 = vector.broadcast %min3A_217 : i32 to vector<16xi32>
      %lt3A_283 = arith.cmpi slt, %add3A_281, %lt3A_282 : vector<16xi32>
      %add3A_284 = arith.constant 16384 : i32
      %add3A_285 = vector.broadcast %add3A_284 : i32 to vector<16xi32>
      %add3A_286 = arith.addi %add3A_285, %iota3A : vector<16xi32>
      %select_n3A_287 = arith.select %lt3A_283, %add3A_281, %add3A_286 : vector<16xi1>, vector<16xi32>
      %dma_wait3A = arith.constant 0 : i32
      %dma_wait3A_288 = tpu.memref_slice %arg16[%dma_wait3A] : memref<16640xf32, #tpu.memory_space<vmem_shared>> -> memref<16640xf32, #tpu.memory_space<vmem_shared>>
      tpu.wait_indirect_dma semaphore(%arg14 : memref<!tpu.dma_semaphore, #tpu.memory_space<semaphore_mem>>) src(%arg12 : memref<16xf32, #tpu.memory_space<vmem>>) dst(%dma_wait3A_288 : memref<16640xf32, #tpu.memory_space<vmem_shared>>)
      %while3A_289 = arith.constant 0 : i32
      scf.yield %while3A_289 : i32
    }
    %barrier3A_270 = arith.constant 0 : index
    tpu.barrier barrier_id(%barrier3A_270)
    %mul3A_271 = arith.constant 1040 : i32
    %mul3A_272 = arith.muli %arg1, %mul3A_271 : i32
    %mul3A_273 = arith.constant 1040 : i32
    %mul3A_274 = arith.muli %arg1, %mul3A_273 : i32
    "tpu.region"() ({
      %run_scoped3A = tpu.sem_alloc : memref<!tpu.dma_semaphore, #tpu.memory_space<semaphore_mem>>
      %dma_start3A = tpu.memref_slice %arg4[%mul3A_274] : memref<16640xf32, #tpu.memory_space<hbm>> -> memref<1040xf32, #tpu.memory_space<hbm>>
      %dma_start3A_275 = tpu.memref_slice %arg16[%mul3A_272] : memref<16640xf32, #tpu.memory_space<vmem_shared>> -> memref<1040xf32, #tpu.memory_space<vmem_shared>>
      tpu.enqueue_dma source(%dma_start3A_275 : memref<1040xf32, #tpu.memory_space<vmem_shared>>) target(%dma_start3A : memref<1040xf32, #tpu.memory_space<hbm>>) target_semaphore(%run_scoped3A : memref<!tpu.dma_semaphore, #tpu.memory_space<semaphore_mem>>)
      %dma_wait3A = tpu.memref_slice %arg4[%mul3A_274] : memref<16640xf32, #tpu.memory_space<hbm>> -> memref<1040xf32, #tpu.memory_space<hbm>>
      %dma_wait3A_276 = tpu.memref_slice %arg16[%mul3A_272] : memref<16640xf32, #tpu.memory_space<vmem_shared>> -> memref<1040xf32, #tpu.memory_space<vmem_shared>>
      tpu.wait_dma2 semaphore(%run_scoped3A : memref<!tpu.dma_semaphore, #tpu.memory_space<semaphore_mem>>) src(%dma_wait3A_276 : memref<1040xf32, #tpu.memory_space<vmem_shared>>) dst(%dma_wait3A : memref<1040xf32, #tpu.memory_space<hbm>>)
      tpu.yield
    }) : () -> ()
    return
  }
}

module attributes {stable_mosaic.version = 14 : i64} {
  func.func @_merge_body(%arg0: i32, %arg1: memref<131072xf32, #tpu.memory_space<vmem>>, %arg2: memref<16384xf32, #tpu.memory_space<vmem>>, %arg3: memref<131072xf32, #tpu.memory_space<vmem>>) attributes {dimension_semantics = [#tpu.dimension_semantics<arbitrary>], iteration_bounds = array<i64: 8>, scalar_prefetch = 0 : i64, scratch_operands = 0 : i64, tpu.core_type = #tpu.core_type<tc>, window_params = [{transform_indices = @transform_0, window_bounds = array<i64: 131072>}, {transform_indices = @transform_1, window_bounds = array<i64: 16384>}, {transform_indices = @transform_2, window_bounds = array<i64: 131072>}]} {
    %get3A = arith.constant 0 : index
    %get3A_0 = vector.load %arg1[%get3A] : memref<131072xf32, #tpu.memory_space<vmem>>, vector<131072xf32>
    %max3A = arith.constant 0.000000e+00 : f32
    %max3A_1 = vector.broadcast %max3A : f32 to vector<131072xf32>
    %max3A_2 = arith.maximumf %get3A_0, %max3A_1 : vector<131072xf32>
    %swap3A = arith.constant 0 : index
    %swap3A_3 = vector.load %arg3[%swap3A] : memref<131072xf32, #tpu.memory_space<vmem>>, vector<131072xf32>
    tpu.vector_store %arg3[%swap3A], %max3A_2 {strides = array<i32>} : memref<131072xf32, #tpu.memory_space<vmem>>, vector<131072xf32>,
    %eq3A = arith.constant 0 : i32
    %eq3A_4 = arith.cmpi eq, %arg0, %eq3A : i32
    %convert_element_type3A = arith.extui %eq3A_4 : i1 to i32
    %cond3A = arith.constant 0 : i32
    %cond3A_5 = arith.cmpi ne, %convert_element_type3A, %cond3A : i32
    scf.if %cond3A_5 {
      %get3A_6 = arith.constant 0 : index
      %get3A_7 = vector.load %arg3[%get3A_6] : memref<131072xf32, #tpu.memory_space<vmem>>, vector<16384xf32>
      %get3A_8 = arith.constant 0 : index
      %get3A_9 = vector.load %arg2[%get3A_8] : memref<16384xf32, #tpu.memory_space<vmem>>, vector<16384xf32>
      %max3A_10 = arith.maximumf %get3A_7, %get3A_9 : vector<16384xf32>
      %swap3A_11 = arith.constant 0 : index
      %swap3A_12 = vector.load %arg3[%swap3A_11] : memref<131072xf32, #tpu.memory_space<vmem>>, vector<16384xf32>
      tpu.vector_store %arg3[%swap3A_11], %max3A_10 {strides = array<i32>} : memref<131072xf32, #tpu.memory_space<vmem>>, vector<16384xf32>,
    } else {
    }
    return
  }
  func.func @transform_0(%arg0: i32) -> i32 {
    %c0_i32 = arith.constant 0 : i32
    return %arg0 : i32
  }
  func.func @transform_1(%arg0: i32) -> i32 {
    %c0_i32 = arith.constant 0 : i32
    %c0_i32_0 = arith.constant 0 : i32
    return %c0_i32 : i32
  }
  func.func @transform_2(%arg0: i32) -> i32 {
    %c0_i32 = arith.constant 0 : i32
    return %arg0 : i32
  }
}

</mosaic_0001>

<sc_bundles>
// kernel: kernel.4.cloned.1.call-start
scs
__scs_entry_jumppad:
0x0: {  	(pc) =	sbr.rel $0x88, $3  }
0x1: {  	(tag) =	ssettag $0x0;
	lr =	simm.s32 $0x1  }
0x2: {  	[smem:$0x3F9E] =	sst lr;
	_ =	strace $0xD0000000  }
0x3: {  	_ = 	snop  }
0x4: {  	_ = 	snop  }
0x5: {  	_ = 	snop  }
0x6: {  	_ = 	snop  }
0x7: {  	_ = 	snop  }
__scs_overlays_trampoline_lowered:
0x8: {  	[smem:$0x3FAD] =	sst s0  }
0x9: {  	[smem:$0x3FAE] =	sst s1  }
0xa: {  	[smem:$0x3FAF] =	sst s2  }
0xb: {  	[smem:$0x3FB0] =	sst s3  }
0xc: {  	[smem:$0x3FB1] =	sst s4  }
0xd: {  	[smem:$0x3FB2] =	sst s5  }
0xe: {  	[smem:$0x3FB3] =	sst s6  }
0xf: {  	[smem:$0x3FB4] =	sst s7  }
0x10: {  	[smem:$0x3FB5] =	sst s8  }
0x11: {  	[smem:$0x3FB6] =	sst s9;
	s0 =	simm.s32 @!p0 $0x0  }
0x12: {  	s1 =	sld [smem:$0x3F9C];
	s0 =	simm.s32 @p0 $0x1  }
0x13: {  	[smem:$0x3FB7] =	sst s0;
	s0 =	simm.s32 @!p1 $0x0  }
0x14: {  	s2 =	sld [smem:$0x3F9B];
	s0 =	simm.s32 @p1 $0x1  }
0x15: {  	[smem:$0x3FB8] =	sst s0;
	s0 =	simm.s32 @!p2 $0x0  }
0x16: {  	s3 =	sld [smem:$0x3FDB];
	s0 =	simm.s32 @p2 $0x1  }
0x17: {  	s4 =	simm.s32 $0x1BF5;
	[smem:$0x3FBA] =	sst s0  }
0x18: {  	s0 =	sld [smem:$0x3F9D];
	_ =	swait.ge [sflag:s4], $0x0  }
0x19: {  	s7 =	sld [smem:$0x3F9E]  }
0x1a: {  	s8 =	sadd.s32 $0xFFFFE003, lr  }
0x1b: {  	s9 =	sadd.s32 $0xFFFFFEF7, lr;
	s5 =	simm.s32 $0xFFFFFFFF;
	p2 =	slt.u32 s8, $0xFFFFF086  }
0x1c: {  	p1 =	slt.u32 s9, $0xF7A;
	s5 =	simm.s32 @!p2 $0x0  }
0x1d: {  	s5 =	simm.s32 @p1 $0x1;
	p0 =	seq.s32 s7, s2  }
0x1e: {  	s7 =	smul.u32 @!p0 $0xF7A, s2;
	p2 =	seq.s32 @!p0 s5, $0x0  }
0x1f: {  	s9 =	smul.u32 $0xF7A, s1;
	s8 =	simm.s32 @!p0 $0x1BF5;
	p2 =	por !p2, p0  }
0x20: {  	[sflag:s8] =	ssyncset.s32 @!p0 $0xFFFFF086;
	s6 =	sadd.s32 @!p0 s3, s7;
	s7 =	simm.s32 @!p0 $0x108  }
0x21: {  	s3 =	sadd.s32 s3, s9;
	s6 =	sadd.s32 @!p0 $0x88, s6;
	s7 =	simm.s32 @p2 $0x1082  }
0x22: {  	[simem:s7], [sflag:s8] =	dma.local @!p0 [hbm:s6], $0xF7A  }
0x23: {  	s9 =	sor.u32 $0xD0000000, s2;
	s6 =	simm.s32 $0x108;
	_ =	swait.ge @!p0 [sflag:s8], $0x0  }
0x24: {  	s3 =	sadd.s32 $0x88, s3;
	s6 =	simm.s32 @!p1 $0x1082;
	[sflag:s4] =	ssyncset.s32 $0xFFFFF086  }
0x25: {  	[simem:s6], [sflag:s4] =	dma.local [hbm:s3], $0xF7A  }
0x26: {  	[smem:$0x3F9E] =	sst s1;
	(tag) =	ssettag s2;
	_ =	strace s9  }
0x27: {  	s1 =	sld [smem:$0x3FAE]  }
0x28: {  	s2 =	sld [smem:$0x3FAF]  }
0x29: {  	s4 =	sld [smem:$0x3FB1]  }
0x2a: {  	p0 =	seq.s32 s5, $0x0;
	s5 =	sld [smem:$0x3FB2]  }
0x2b: {  	s6 =	sld [smem:$0x3FB3]  }
0x2c: {  	s7 =	sld [smem:$0x3FB4]  }
0x2d: {  	s3 =	simm.s32 $0x108;
	s8 =	sld [smem:$0x3FB5]  }
0x2e: {  	s3 =	simm.s32 @!p0 $0x1082;
	s9 =	sld [smem:$0x3FB6]  }
0x2f: {  	lr =	sadd.s32 s0, s3;
	s0 =	sld [smem:$0x3FAD]  }
0x30: {  	s3 =	sld [smem:$0x3FB0]  }
0x31: {  	[smem:$0x3FB9] =	sst s10  }
0x32: {  	s10 =	sld [smem:$0x3FB7];
	_ =	sdelay $0x3  }
0x33: {  	p0 =	seq.s32 s10, $0x1;
	s10 =	sld [smem:$0x3FB9];
	_ =	sdelay $0x3  }
0x34: {  	[smem:$0x3FB9] =	sst s10  }
0x35: {  	s10 =	sld [smem:$0x3FB8];
	_ =	sdelay $0x3  }
0x36: {  	p1 =	seq.s32 s10, $0x1;
	s10 =	sld [smem:$0x3FB9];
	_ =	sdelay $0x3  }
0x37: {  	[smem:$0x3FB9] =	sst s10  }
0x38: {  	s10 =	sld [smem:$0x3FBA]  }
0x39: {  	_ = 	snop;
	(pc) =	sbr.ind lr, $3  }
0x3a: {  	_ = 	snop  }
0x3b: {  	_ = 	snop  }
0x3c: {  	p2 =	seq.s32 s10, $0x1;
	s10 =	sld [smem:$0x3FB9]  }
0x3d: {  	_ =	shalt  }
0x3e: {  	_ =	shalt  }
0x3f: {  	_ =	shalt  }
0x40: {  	_ =	shalt  }
0x41: {  	_ =	shalt  }
0x42: {  	_ =	shalt  }
0x43: {  	_ =	shalt  }
0x44: {  	_ =	shalt  }
0x45: {  	_ =	shalt  }
0x46: {  	_ =	shalt  }
0x47: {  	_ =	shalt  }
0x48: {  	_ =	shalt  }
0x49: {  	_ =	shalt  }
0x4a: {  	_ =	shalt  }
0x4b: {  	_ =	shalt  }
0x4c: {  	_ =	shalt  }
0x4d: {  	_ =	shalt  }
0x4e: {  	_ =	shalt  }
0x4f: {  	_ =	shalt  }
0x50: {  	_ =	shalt  }
0x51: {  	_ =	shalt  }
0x52: {  	_ =	shalt  }
0x53: {  	_ =	shalt  }
0x54: {  	_ =	shalt  }
0x55: {  	_ =	shalt  }
0x56: {  	_ =	shalt  }
0x57: {  	_ =	shalt  }
0x58: {  	_ =	shalt  }
0x59: {  	_ =	shalt  }
0x5a: {  	_ =	shalt  }
0x5b: {  	_ =	shalt  }
0x5c: {  	_ =	shalt  }
0x5d: {  	_ =	shalt  }
0x5e: {  	_ =	shalt  }
0x5f: {  	_ =	shalt  }
0x60: {  	_ =	shalt  }
0x61: {  	_ =	shalt  }
0x62: {  	_ =	shalt  }
0x63: {  	_ =	shalt  }
0x64: {  	_ =	shalt  }
0x65: {  	_ =	shalt  }
0x66: {  	_ =	shalt  }
0x67: {  	_ =	shalt  }
0x68: {  	_ =	shalt  }
0x69: {  	_ =	shalt  }
0x6a: {  	_ =	shalt  }
0x6b: {  	_ =	shalt  }
0x6c: {  	_ =	shalt  }
0x6d: {  	_ =	shalt  }
0x6e: {  	_ =	shalt  }
0x6f: {  	_ =	shalt  }
0x70: {  	_ =	shalt  }
0x71: {  	_ =	shalt  }
0x72: {  	_ =	shalt  }
0x73: {  	_ =	shalt  }
0x74: {  	_ =	shalt  }
0x75: {  	_ =	shalt  }
0x76: {  	_ =	shalt  }
0x77: {  	_ =	shalt  }
0x78: {  	_ =	shalt  }
0x79: {  	_ =	shalt  }
0x7a: {  	_ =	shalt  }
0x7b: {  	_ =	shalt  }
0x7c: {  	_ =	shalt  }
0x7d: {  	_ =	shalt  }
0x7e: {  	_ =	shalt  }
0x7f: {  	_ =	shalt  }
0x80: {  	_ =	shalt  }
0x81: {  	_ =	shalt  }
0x82: {  	_ =	shalt  }
0x83: {  	_ =	shalt  }
0x84: {  	_ =	shalt  }
0x85: {  	_ =	shalt  }
0x86: {  	_ =	shalt  }
0x87: {  	_ =	shalt  }
.Lfunc_end0:
.L_simem_size_0:
called_computation_lowered:
.L_overlay_start_0:
0x88: {  	s0 =	sld [smem:$0x3FD9]  }
0x89: {  	s1 =	sld [smem:$0x3FFE];
	_ =	sdelay $0x3  }
0x8a: {  	s0 =	sadd.s32 s1, s0  }
0x8b: {  	[smem:$0x3FC5] =	sst s0  }
0x8c: {  	_ = 	snop  }
0x8d: {  	s0 =	sld [smem:$0x3FC8]  }
0x8e: {  	s17 =	sld [smem:$0x3FC7]  }
0x8f: {  	s2 =	sld [smem:$0x3FD0];
	(tm) =	ssettm $0x1  }
0x90: {  	s3 =	sld [smem:$0x3FFB];
	_ =	sdelay $0x3  }
0x91: {  	_ =	strace s3  }
0x92: {  	s3 =	sld [smem:$0x3FFC];
	_ =	sdelay $0x3  }
0x93: {  	_ =	strace s3  }
0x94: {  	s3 =	sld [smem:$0x3FFD];
	_ =	sdelay $0x3  }
0x95: {  	_ =	strace s3  }
0x96: {  	_ =	strace $0x8FFFFFFF  }
0x97: {  	s18 =	sld [smem:$0x3FDB];
	_ =	sdelay $0x1  }
0x98: {  	s4 =	simm.s32 $_scs_section_size  }
0x99: {  	s5 =	simm.s32 $_size__tile_overlayer_lowered;
	s6 =	simm.s32 $_tile_overlayer_lowered  }
0x9a: {  	s21 =	simm.s32 $0x1BFF;
	s20 =	sshll.u32 s6, $0x1;
	s3 =	sadd.s32 s4, s18  }
0x9b: {  	s7 =	simm.s32 $0x0;
	s19 =	sshll.u32 s5, $0x1;
	s5 =	sadd.s32 s20, s3  }
0x9c: {  	[timem:s7], [sflag:s21] =	dma.local [hbm:s5], s19  }
0x9d: {  	_ =	swait.ge [sflag:s21], s19  }
0x9e: {  	s4 =	ssub.s32 $0x0, s19;
	[sflag:s21] =	ssyncset.done $0x0  }
0x9f: {  	[sflag:s21] =	ssyncadd.s32 s4;
	_ =	sdelay $0x1  }
0xa0: {  	s22 =	simm.s32 $0x1B8B  }
0xa1: {  	_ =	swait.ge [sflag:s22], $0x1  }
0xa2: {  	[sflag:s22] =	ssyncset.done $0x0  }
0xa3: {  	s23 =	simm.s32 $0x1B8E;
	[sflag:s22] =	ssyncadd.s32 $0xFFFFFFFF  }
0xa4: {  	s24 =	simm.s32 $execute0_lowered;
	[smem:$0x3FD2] =	sst s23  }
0xa5: {  	s4 =	sshll.u32 s24, $0x1;
	_ =	strace $0x80000046;
	[dreg:$0x1] =	wrdreg $0xFFFFFFFF  }
0xa6: {  	s25 =	simm.s32 $_size_execute0_lowered;
	s3 =	sadd.s32 s3, s4;
	[dreg:$0x0] =	wrdreg $0x0  }
0xa7: {  	s4 =	sshll.u32 s25, $0x1;
	[dreg:$0x2] =	wrdreg s3  }
0xa8: {  	[dreg:$0x3] =	wrdreg s4  }
0xa9: {  	[dreg:$0x4] =	wrdreg $0xC0  }
0xaa: {  	_ =	task [dreg:s7], $0x5FFFF  }
0xab: {  	[dreg:$0x1] =	wrdreg $0xFFFFFFFF  }
0xac: {  	[dreg:$0x0] =	wrdreg $0x60  }
0xad: {  	[dreg:$0x2] =	wrdreg s0  }
0xae: {  	[dreg:$0x3] =	wrdreg s17  }
0xaf: {  	[dreg:$0x4] =	wrdreg s2  }
0xb0: {  	[dreg:$0x5] =	wrdreg $0x1F5700  }
0xb1: {  	[dreg:$0x6] =	wrdreg $0x1F5800  }
0xb2: {  	[dreg:$0x7] =	wrdreg $0x9  }
0xb3: {  	_ =	task.clear_ibuf [dreg:s7], $0x8FFFF;
	_ =	strace $0x90000046  }
0xb4: {  	s26 =	simm.s32 $0x9;
	_ =	strace $0x80000048  }
0xb5: {  	_ =	swait.ge [sflag:s26], $0x1  }
0xb6: {  	[sflag:s26] =	ssyncadd.s32 $0xFFFFFFFF  }
0xb7: {  	_ =	strace $0x90000048  }
0xb8: {  	_ =	sfence  }
0xb9: {  	s28 =	sld [smem:$0x0];
	_ =	sdelay $0x1  }
0xba: {  	s29 =	srdreg.scid  }
0xbb: {  	s30 =	sshll.u32 s29, $0xD;
	s31 =	sshrl.u32 s29, $0x2  }
0xbc: {  	s1 =	sand.u32 $0x1, s29;
	s2 =	sand.u32 $0x4000, s30;
	s0 =	sadd.s32 s31, s28  }
0xbd: {  	s1 =	sor.u32 s2, s1;
	s0 =	sshll.u32 s0, $0x11  }
0xbe: {  	s0 =	sor.u32 s0, s1  }
0xbf: {  	s0 =	sadd.s32 $0x8F2B, s0  }
0xc0: {  	[sflag:s0] =	ssyncadd.remote.s32 $0x1  }
0xc1: {  	_ =	sfence.sel $0xFFFF  }
0xc2: {  	[dreg:$0x0] =	wrdreg $0xFFFFFFFF;
	(pc) =	sbr.abs _section_cstart, $3  }
0xc3: {  	[dreg:$0x1] =	wrdreg $0xFFFFFFFF  }
0xc4: {  	_ =	task.clear_ibuf [dreg:s7], $0x2FFFF;
	_ =	strace $0x9FFFFFFF  }
0xc5: {  	(tm) =	ssettm $0x7FFFFFFF  }
tec
execute0_lowered:
.L_overlay_start_1:
0x0: {  	(tag) =	ssettag $0x1  }
0x1: {  	s1 =	rddreg [dreg:$0x0]  }
0x2: {  	s5 =	rddreg [dreg:$0x1]  }
0x3: {  	s4 =	rddreg [dreg:$0x2]  }
0x4: {  	s3 =	rddreg [dreg:$0x3]  }
0x5: {  	s2 =	rddreg [dreg:$0x4];
	s6 =	simm.s32 $0x0  }
0x6: {  	[smem:$0x7FF] =	sst s6  }
0x7: {  	s0 =	rddreg [dreg:$0x5];
	_ =	strace $0x80000047  }
0x8: {  	[tilespmem:s6], [sflag:$0x1] =	stream.linear.gather [hbm4b:s1+s6], $0x4000, $0x38;
	[tilespmem:$0x1F990] =	vst v63  }
0x9: {  	s31 =	simm.s32 $0x4000  }
0xa: {  	[tilespmem:s31], [sflag:$0x1] =	stream.linear.gather [hbm4b:s5+s6], $0x4000, $0x38;
	[tilespmem:$0x1F990] =	vst v63  }
0xb: {  	v0 =	vimm.f32 $-1.000000000e+00;
	s5 =	simm.s32 $0x8040  }
0xc: {  	[tilespmem:s5+$0xFFFFFFC0] =	vst v0  }
0xd: {  	[tilespmem:s5+$0x30] =	vst v0  }
0xe: {  	[tilespmem:s5+$0x20] =	vst v0  }
0xf: {  	[tilespmem:s5+$0x10] =	vst v0  }
0x10: {  	[tilespmem:s5+$0x0] =	vst v0  }
0x11: {  	[tilespmem:s5+$0xFFFFFFF0] =	vst v0  }
0x12: {  	s1 =	stileid.u32;
	s6 =	simm.s32 $0x0;
	[tilespmem:s5+$0xFFFFFFE0] =	vst v0  }
.LBB2_1:
0x13: {  	s6 =	sadd.s32 $0x8, s6;
	[tilespmem:s5+$0xFFFFFFD0] =	vst v0;
	s5 =	sadd.s32 $0x80, s5  }
0x14: {  	[tilespmem:s5+$0xFFFFFFC0] =	vst v0;
	p0 =	slt.u32 s6, $0xF38  }
0x15: {  	[tilespmem:s5+$0x30] =	vst v0  }
.Ltmp0:
0x16: {  	[tilespmem:s5+$0x20] =	vst v0;
	(pc) =	sbr.rel @p0 .LBB2_1-.Ltmp0, $4  }
0x17: {  	[tilespmem:s5+$0x10] =	vst v0  }
0x18: {  	[tilespmem:s5+$0x0] =	vst v0  }
0x19: {  	[tilespmem:s5+$0xFFFFFFF0] =	vst v0  }
0x1a: {  	[tilespmem:s5+$0xFFFFFFE0] =	vst v0  }
0x1b: {  	[tilespmem:s5+$0xFFFFFFD0] =	vst v0;
	v0 =	vimm.f32 $-1.000000000e+00  }
0x1c: {  	[tilespmem:$0x17400] =	vst v0  }
0x1d: {  	[tilespmem:$0x17410] =	vst v0  }
0x1e: {  	s22 =	simm.s32 $0x1;
	[tilespmem:$0x17420] =	vst v0  }
0x1f: {  	_ =	swait.ge [sflag:s22], $0x4000  }
0x20: {  	[sflag:s22] =	ssyncset.done $0x0  }
0x21: {  	[sflag:s22] =	ssyncadd.s32 $0xFFFFC000  }
0x22: {  	_ =	swait.ge [sflag:s22], $0x4000  }
0x23: {  	[sflag:s22] =	ssyncset.done $0x0  }
0x24: {  	s6 =	simm.s32 $0x40;
	[sflag:s22] =	ssyncadd.s32 $0xFFFFC000  }
0x25: {  	v1 =	vld [tilespmem:s6+$0xFFFFFFC0];
	_ =	sdelay $0x1  }
0x26: {  	s7 =	smul.u32 $0xF424, s1;
	s23 =	simm.s32 $0x4040  }
0x27: {  	v2 =	vld [tilespmem:s23+$0xFFFFFFC0]  }
0x28: {  	v0 =	vmov s7  }
0x29: {  	v1 =	vsub.s32 v1, v0  }
0x2a: {  	s24 =	simm.s32 $0x0;
	vm0 =	vlt.u32 v1, $0xF424  }
0x2b: {  	[tilespmem:s24+$0x17430] =	vst.msk vm0, v1;
	v1 =	vmpcnt.ones.xlane vm0  }
0x2c: {  	[tilespmem:s24+$0x1B440] =	vst.msk vm0, v2  }
0x2d: {  	v2 =	vld [tilespmem:s6+$0xFFFFFFD0];
	(v2sf) =	vpush v1, $0x0;
	_ =	sdelay $0x4  }
0x2e: {  	v1 =	vsub.s32 v2, v0  }
0x2f: {  	vm9 =	vlt.u32 v1, $0xF424  }
0x30: {  	v2 =	vmpcnt.ones.xlane vm9;
	_ =	sdelay $0x1  }
0x31: {  	(v2sf) =	vpush v2, $0x0;
	_ =	sdelay $0x3  }
0x32: {  	v2 =	vld [tilespmem:s23+$0xFFFFFFD0];
	_ =	sdelay $0x1  }
0x33: {  	s25 =	spop (v2sf)  }
0x34: {  	s7 =	sadd.s32 $0x0, s25  }
0x35: {  	[tilespmem:s7+$0x17430] =	vst.msk vm9, v1  }
0x36: {  	[tilespmem:s7+$0x1B440] =	vst.msk vm9, v2  }
0x37: {  	v1 =	vld [tilespmem:s6+$0xFFFFFFE0];
	_ =	sdelay $0x2  }
0x38: {  	v2 =	vld [tilespmem:s23+$0xFFFFFFE0];
	_ =	sdelay $0x1  }
0x39: {  	v1 =	vsub.s32 v1, v0;
	s8 =	spop (v2sf)  }
0x3a: {  	s7 =	sadd.s32 s7, s8;
	vm10 =	vlt.u32 v1, $0xF424  }
0x3b: {  	[tilespmem:s7+$0x17430] =	vst.msk vm10, v1;
	v1 =	vmpcnt.ones.xlane vm10  }
0x3c: {  	[tilespmem:s7+$0x1B440] =	vst.msk vm10, v2  }
0x3d: {  	v2 =	vld [tilespmem:s6+$0xFFFFFFF0];
	(v2sf) =	vpush v1, $0x0;
	_ =	sdelay $0x4  }
0x3e: {  	v1 =	vsub.s32 v2, v0  }
0x3f: {  	vm11 =	vlt.u32 v1, $0xF424  }
0x40: {  	v2 =	vmpcnt.ones.xlane vm11;
	_ =	sdelay $0x1  }
0x41: {  	(v2sf) =	vpush v2, $0x0;
	_ =	sdelay $0x3  }
0x42: {  	v2 =	vld [tilespmem:s23+$0xFFFFFFF0];
	_ =	sdelay $0x1  }
0x43: {  	s26 =	spop (v2sf)  }
0x44: {  	s7 =	sadd.s32 s7, s26  }
0x45: {  	[tilespmem:s7+$0x17430] =	vst.msk vm11, v1  }
0x46: {  	[tilespmem:s7+$0x1B440] =	vst.msk vm11, v2  }
0x47: {  	v1 =	vld [tilespmem:s6+$0x0];
	_ =	sdelay $0x2  }
0x48: {  	v2 =	vld [tilespmem:s23+$0x0];
	_ =	sdelay $0x1  }
0x49: {  	v1 =	vsub.s32 v1, v0;
	s28 =	spop (v2sf)  }
0x4a: {  	s7 =	sadd.s32 s7, s28;
	vm12 =	vlt.u32 v1, $0xF424  }
0x4b: {  	[tilespmem:s7+$0x17430] =	vst.msk vm12, v1;
	v1 =	vmpcnt.ones.xlane vm12  }
0x4c: {  	[tilespmem:s7+$0x1B440] =	vst.msk vm12, v2  }
0x4d: {  	v2 =	vld [tilespmem:s6+$0x10];
	(v2sf) =	vpush v1, $0x0;
	_ =	sdelay $0x4  }
0x4e: {  	v1 =	vsub.s32 v2, v0  }
0x4f: {  	vm13 =	vlt.u32 v1, $0xF424  }
0x50: {  	v2 =	vmpcnt.ones.xlane vm13;
	_ =	sdelay $0x1  }
0x51: {  	(v2sf) =	vpush v2, $0x0;
	_ =	sdelay $0x3  }
0x52: {  	v2 =	vld [tilespmem:s23+$0x10];
	_ =	sdelay $0x1  }
0x53: {  	s29 =	spop (v2sf)  }
0x54: {  	s7 =	sadd.s32 s7, s29  }
0x55: {  	[tilespmem:s7+$0x17430] =	vst.msk vm13, v1  }
0x56: {  	[tilespmem:s7+$0x1B440] =	vst.msk vm13, v2  }
0x57: {  	v1 =	vld [tilespmem:s6+$0x20];
	_ =	sdelay $0x2  }
0x58: {  	v2 =	vld [tilespmem:s23+$0x20];
	_ =	sdelay $0x1  }
0x59: {  	v1 =	vsub.s32 v1, v0;
	s30 =	spop (v2sf)  }
0x5a: {  	s7 =	sadd.s32 s7, s30;
	vm14 =	vlt.u32 v1, $0xF424  }
0x5b: {  	[tilespmem:s7+$0x17430] =	vst.msk vm14, v1;
	v1 =	vmpcnt.ones.xlane vm14  }
0x5c: {  	[tilespmem:s7+$0x1B440] =	vst.msk vm14, v2  }
0x5d: {  	v2 =	vld [tilespmem:s6+$0x30];
	(v2sf) =	vpush v1, $0x0;
	_ =	sdelay $0x4  }
0x5e: {  	v1 =	vsub.s32 v2, v0  }
0x5f: {  	vm15 =	vlt.u32 v1, $0xF424  }
0x60: {  	v2 =	vmpcnt.ones.xlane vm15;
	_ =	sdelay $0x1  }
0x61: {  	(v2sf) =	vpush v2, $0x0;
	_ =	sdelay $0x3  }
0x62: {  	v2 =	vld [tilespmem:s23+$0x30];
	_ =	sdelay $0x1  }
0x63: {  	s31 =	spop (v2sf)  }
0x64: {  	s8 =	sadd.s32 s7, s31  }
0x65: {  	[tilespmem:s8+$0x17430] =	vst.msk vm15, v1  }
0x66: {  	s6 =	simm.s32 $0xC0;
	[tilespmem:s8+$0x1B440] =	vst.msk vm15, v2  }
0x67: {  	v2 =	vld [tilespmem:s6+$0xFFFFFFC0];
	_ =	sdelay $0x1  }
0x68: {  	s5 =	simm.s32 $0x40C0  }
0x69: {  	v1 =	vld [tilespmem:s5+$0xFFFFFFC0];
	_ =	sdelay $0x1  }
0x6a: {  	s7 =	simm.s32 $0x8;
	v2 =	vsub.s32 v2, v0;
	s9 =	spop (v2sf)  }
.LBB2_3:
0x6b: {  	s7 =	sadd.s32 $0x8, s7;
	vm0 =	vlt.u32 v2, $0xF424;
	s8 =	sadd.s32 s8, s9  }
0x6c: {  	p0 =	slt.u32 s7, $0x3F8;
	[tilespmem:s8+$0x17430] =	vst.msk vm0, v2;
	v2 =	vmpcnt.ones.xlane vm0  }
0x6d: {  	[tilespmem:s8+$0x1B440] =	vst.msk vm0, v1  }
0x6e: {  	v1 =	vld [tilespmem:s6+$0xFFFFFFD0];
	(v2sf) =	vpush v2, $0x0;
	_ =	sdelay $0x4  }
0x6f: {  	v1 =	vsub.s32 v1, v0  }
0x70: {  	vm0 =	vlt.u32 v1, $0xF424  }
0x71: {  	v2 =	vmpcnt.ones.xlane vm0;
	_ =	sdelay $0x1  }
0x72: {  	(v2sf) =	vpush v2, $0x0;
	_ =	sdelay $0x3  }
0x73: {  	v2 =	vld [tilespmem:s5+$0xFFFFFFD0];
	_ =	sdelay $0x1  }
0x74: {  	s9 =	spop (v2sf)  }
0x75: {  	s8 =	sadd.s32 s8, s9  }
0x76: {  	[tilespmem:s8+$0x17430] =	vst.msk vm0, v1  }
0x77: {  	[tilespmem:s8+$0x1B440] =	vst.msk vm0, v2  }
0x78: {  	v1 =	vld [tilespmem:s6+$0xFFFFFFE0];
	_ =	sdelay $0x2  }
0x79: {  	v2 =	vld [tilespmem:s5+$0xFFFFFFE0];
	_ =	sdelay $0x1  }
0x7a: {  	v1 =	vsub.s32 v1, v0;
	s9 =	spop (v2sf)  }
0x7b: {  	s8 =	sadd.s32 s8, s9;
	vm0 =	vlt.u32 v1, $0xF424  }
0x7c: {  	[tilespmem:s8+$0x17430] =	vst.msk vm0, v1;
	v1 =	vmpcnt.ones.xlane vm0  }
0x7d: {  	[tilespmem:s8+$0x1B440] =	vst.msk vm0, v2  }
0x7e: {  	v2 =	vld [tilespmem:s6+$0xFFFFFFF0];
	(v2sf) =	vpush v1, $0x0;
	_ =	sdelay $0x4  }
0x7f: {  	v1 =	vsub.s32 v2, v0  }
0x80: {  	vm0 =	vlt.u32 v1, $0xF424  }
0x81: {  	v2 =	vmpcnt.ones.xlane vm0;
	_ =	sdelay $0x1  }
0x82: {  	(v2sf) =	vpush v2, $0x0;
	_ =	sdelay $0x3  }
0x83: {  	v2 =	vld [tilespmem:s5+$0xFFFFFFF0];
	_ =	sdelay $0x1  }
0x84: {  	s9 =	spop (v2sf)  }
0x85: {  	s8 =	sadd.s32 s8, s9  }
0x86: {  	[tilespmem:s8+$0x17430] =	vst.msk vm0, v1  }
0x87: {  	[tilespmem:s8+$0x1B440] =	vst.msk vm0, v2  }
0x88: {  	v1 =	vld [tilespmem:s6+$0x0];
	_ =	sdelay $0x2  }
0x89: {  	v2 =	vld [tilespmem:s5+$0x0];
	_ =	sdelay $0x1  }
0x8a: {  	v1 =	vsub.s32 v1, v0;
	s9 =	spop (v2sf)  }
0x8b: {  	s8 =	sadd.s32 s8, s9;
	vm0 =	vlt.u32 v1, $0xF424  }
0x8c: {  	[tilespmem:s8+$0x17430] =	vst.msk vm0, v1;
	v1 =	vmpcnt.ones.xlane vm0  }
0x8d: {  	[tilespmem:s8+$0x1B440] =	vst.msk vm0, v2  }
0x8e: {  	v2 =	vld [tilespmem:s6+$0x10];
	(v2sf) =	vpush v1, $0x0  }
0x8f: {  	v1 =	vld [tilespmem:s5+$0x10];
	_ =	sdelay $0x3  }
0x90: {  	v2 =	vsub.s32 v2, v0  }
0x91: {  	vm0 =	vlt.u32 v2, $0xF424  }
0x92: {  	v3 =	vmpcnt.ones.xlane vm0;
	_ =	sdelay $0x1  }
0x93: {  	(v2sf) =	vpush v3, $0x0;
	_ =	sdelay $0x5  }
0x94: {  	s9 =	spop (v2sf)  }
0x95: {  	s8 =	sadd.s32 s8, s9  }
0x96: {  	[tilespmem:s8+$0x17430] =	vst.msk vm0, v2  }
0x97: {  	[tilespmem:s8+$0x1B440] =	vst.msk vm0, v1  }
0x98: {  	v1 =	vld [tilespmem:s6+$0x20]  }
0x99: {  	v2 =	vld [tilespmem:s5+$0x20];
	_ =	sdelay $0x3  }
0x9a: {  	v1 =	vsub.s32 v1, v0;
	s9 =	spop (v2sf)  }
0x9b: {  	s8 =	sadd.s32 s8, s9;
	vm0 =	vlt.u32 v1, $0xF424  }
0x9c: {  	[tilespmem:s8+$0x17430] =	vst.msk vm0, v1;
	v1 =	vmpcnt.ones.xlane vm0  }
0x9d: {  	[tilespmem:s8+$0x1B440] =	vst.msk vm0, v2  }
0x9e: {  	v2 =	vld [tilespmem:s6+$0x30];
	(v2sf) =	vpush v1, $0x0  }
0x9f: {  	v1 =	vld [tilespmem:s5+$0x30];
	_ =	sdelay $0x3  }
0xa0: {  	v2 =	vsub.s32 v2, v0  }
0xa1: {  	vm0 =	vlt.u32 v2, $0xF424  }
0xa2: {  	v3 =	vmpcnt.ones.xlane vm0;
	_ =	sdelay $0x1  }
0xa3: {  	(v2sf) =	vpush v3, $0x0;
	_ =	sdelay $0x5  }
0xa4: {  	s9 =	spop (v2sf)  }
0xa5: {  	s8 =	sadd.s32 s8, s9  }
0xa6: {  	[tilespmem:s8+$0x17430] =	vst.msk vm0, v2  }
0xa7: {  	s6 =	sadd.s32 $0x80, s6;
	[tilespmem:s8+$0x1B440] =	vst.msk vm0, v1  }
0xa8: {  	v2 =	vld [tilespmem:s6+$0xFFFFFFC0]  }
.Ltmp1:
0xa9: {  	(pc) =	sbr.rel @p0 .LBB2_3-.Ltmp1, $3  }
0xaa: {  	s5 =	sadd.s32 $0x80, s5  }
0xab: {  	v1 =	vld [tilespmem:s5+$0xFFFFFFC0];
	_ =	sdelay $0x1  }
0xac: {  	v2 =	vsub.s32 v2, v0;
	s9 =	spop (v2sf)  }
0xad: {  	vm0 =	vlt.u32 v2, $0xF424;
	s7 =	sadd.s32 s8, s9  }
0xae: {  	[tilespmem:s7+$0x17430] =	vst.msk vm0, v2;
	v49 =	vmpcnt.ones.xlane vm0  }
0xaf: {  	[tilespmem:s7+$0x1B440] =	vst.msk vm0, v1  }
0xb0: {  	v1 =	vld [tilespmem:s6+$0xFFFFFFD0];
	(v2sf) =	vpush v49, $0x0;
	_ =	sdelay $0x4  }
0xb1: {  	v1 =	vsub.s32 v1, v0  }
0xb2: {  	vm9 =	vlt.u32 v1, $0xF424  }
0xb3: {  	v50 =	vmpcnt.ones.xlane vm9;
	_ =	sdelay $0x1  }
0xb4: {  	(v2sf) =	vpush v50, $0x0;
	_ =	sdelay $0x3  }
0xb5: {  	v51 =	vld [tilespmem:s5+$0xFFFFFFD0];
	_ =	sdelay $0x1  }
0xb6: {  	s20 =	spop (v2sf)  }
0xb7: {  	s7 =	sadd.s32 s7, s20  }
0xb8: {  	[tilespmem:s7+$0x17430] =	vst.msk vm9, v1  }
0xb9: {  	[tilespmem:s7+$0x1B440] =	vst.msk vm9, v51  }
0xba: {  	v1 =	vld [tilespmem:s6+$0xFFFFFFE0];
	_ =	sdelay $0x2  }
0xbb: {  	v2 =	vld [tilespmem:s5+$0xFFFFFFE0];
	_ =	sdelay $0x1  }
0xbc: {  	v1 =	vsub.s32 v1, v0;
	s21 =	spop (v2sf)  }
0xbd: {  	s7 =	sadd.s32 s7, s21;
	vm10 =	vlt.u32 v1, $0xF424  }
0xbe: {  	[tilespmem:s7+$0x17430] =	vst.msk vm10, v1;
	v52 =	vmpcnt.ones.xlane vm10  }
0xbf: {  	[tilespmem:s7+$0x1B440] =	vst.msk vm10, v2  }
0xc0: {  	v2 =	vld [tilespmem:s6+$0xFFFFFFF0];
	(v2sf) =	vpush v52, $0x0;
	_ =	sdelay $0x4  }
0xc1: {  	v53 =	vsub.s32 v2, v0  }
0xc2: {  	vm11 =	vlt.u32 v53, $0xF424  }
0xc3: {  	v54 =	vmpcnt.ones.xlane vm11;
	_ =	sdelay $0x1  }
0xc4: {  	(v2sf) =	vpush v54, $0x0;
	_ =	sdelay $0x3  }
0xc5: {  	v55 =	vld [tilespmem:s5+$0xFFFFFFF0];
	_ =	sdelay $0x1  }
0xc6: {  	s22 =	spop (v2sf)  }
0xc7: {  	s7 =	sadd.s32 s7, s22  }
0xc8: {  	[tilespmem:s7+$0x17430] =	vst.msk vm11, v53  }
0xc9: {  	[tilespmem:s7+$0x1B440] =	vst.msk vm11, v55  }
0xca: {  	v1 =	vld [tilespmem:s6+$0x0];
	_ =	sdelay $0x2  }
0xcb: {  	v2 =	vld [tilespmem:s5+$0x0];
	_ =	sdelay $0x1  }
0xcc: {  	v1 =	vsub.s32 v1, v0;
	s23 =	spop (v2sf)  }
0xcd: {  	s7 =	sadd.s32 s7, s23;
	vm12 =	vlt.u32 v1, $0xF424  }
0xce: {  	[tilespmem:s7+$0x17430] =	vst.msk vm12, v1;
	v56 =	vmpcnt.ones.xlane vm12  }
0xcf: {  	[tilespmem:s7+$0x1B440] =	vst.msk vm12, v2  }
0xd0: {  	v2 =	vld [tilespmem:s6+$0x10];
	(v2sf) =	vpush v56, $0x0;
	_ =	sdelay $0x4  }
0xd1: {  	v57 =	vsub.s32 v2, v0  }
0xd2: {  	vm13 =	vlt.u32 v57, $0xF424  }
0xd3: {  	v58 =	vmpcnt.ones.xlane vm13;
	_ =	sdelay $0x1  }
0xd4: {  	(v2sf) =	vpush v58, $0x0;
	_ =	sdelay $0x3  }
0xd5: {  	v59 =	vld [tilespmem:s5+$0x10];
	_ =	sdelay $0x1  }
0xd6: {  	s24 =	spop (v2sf)  }
0xd7: {  	s7 =	sadd.s32 s7, s24  }
0xd8: {  	[tilespmem:s7+$0x17430] =	vst.msk vm13, v57  }
0xd9: {  	[tilespmem:s7+$0x1B440] =	vst.msk vm13, v59  }
0xda: {  	v1 =	vld [tilespmem:s6+$0x20];
	_ =	sdelay $0x2  }
0xdb: {  	v2 =	vld [tilespmem:s5+$0x20];
	_ =	sdelay $0x1  }
0xdc: {  	v1 =	vsub.s32 v1, v0;
	s25 =	spop (v2sf)  }
0xdd: {  	s7 =	sadd.s32 s7, s25;
	vm14 =	vlt.u32 v1, $0xF424  }
0xde: {  	[tilespmem:s7+$0x17430] =	vst.msk vm14, v1  }
0xdf: {  	[tilespmem:s7+$0x1B440] =	vst.msk vm14, v2  }
0xe0: {  	v1 =	vld [tilespmem:s6+$0x30];
	_ =	sdelay $0x4  }
0xe1: {  	v60 =	vsub.s32 v1, v0  }
0xe2: {  	v61 =	vmpcnt.ones.xlane vm14;
	vm15 =	vlt.u32 v60, $0xF424  }
0xe3: {  	v62 =	vmpcnt.ones.xlane vm15  }
0xe4: {  	(v2sf) =	vpush v61, $0x0  }
0xe5: {  	(v2sf) =	vpush v62, $0x0;
	_ =	sdelay $0xd  }
0xe6: {  	s26 =	spop (v2sf)  }
0xe7: {  	s6 =	sadd.s32 s7, s26;
	s28 =	spop (v2sf)  }
0xe8: {  	s9 =	sadd.s32 s6, s28  }
0xe9: {  	s7 =	sadd.s32 $0xF, s9  }
0xea: {  	s29 =	sand.u32 $0xF, s7  }
0xeb: {  	s10 =	sshra.s32 s7, $0x1F;
	p0 =	slt.s32 s7, $0x1;
	p1 =	sne.s32 s29, $0x0  }
0xec: {  	s30 =	sshrl.u32 s10, $0x1C;
	p0 =	por !p0, !p1  }
0xed: {  	v63 =	vld [tilespmem:s5+$0x30];
	s5 =	sadd.s32 s30, s7;
	s7 =	simm.s32 $0x1;
	p0 =	por !p0, !p0  }
0xee: {  	s31 =	sshra.s32 s5, $0x4;
	s7 =	simm.s32 @!p0 $0x0  }
0xef: {  	s8 =	ssub.s32 s31, s7  }
0xf0: {  	p0 =	slt.s32 s8, $0x1  }
.Ltmp2:
0xf1: {  	_ = 	snop;
	(pc) =	sbr.rel @p0 .LBB2_11-.Ltmp2, $4  }
0xf2: {  	_ = 	snop  }
0xf3: {  	s5 =	smul.u32 $0x410, s1  }
0xf4: {  	[tilespmem:s6+$0x17430] =	vst.msk vm15, v60  }
0xf5: {  	[tilespmem:s6+$0x1B440] =	vst.msk vm15, v63;
	s6 =	sshll.u32 s1, $0x4;
	s7 =	sshrl.u32 s5, $0x3  }
.Ltmp3:
0xf6: {  	(pc) =	sbr.rel .LBB2_6-.Ltmp3, $2  }
0xf7: {  	_ =	sdelay $0x2  }
0xf8: {  	v0 =	vmov s9;
	s9 =	simm.s32 $0x0;
	v1 =	vlaneseq.u32;
	s10 =	simm.s32 $0x8000  }
.LBB2_9:
0xf9: {  	vm0 =	vgt.f32 v3, v5  }
0xfa: {  	vm0 =	vmand vm1, vm0;
	_ =	sdelay $0x5  }
0xfb: {  	[tilespmem:v4+s10+$0x0] =	vst.idx.msk vm0, v3  }
.LBB2_10:
0xfc: {  	s9 =	sadd.s32 $0x1, s9  }
0xfd: {  	p0 =	sne.s32 s9, s8  }
.Ltmp4:
0xfe: {  	_ = 	snop;
	(pc) =	sbr.rel @!p0 .LBB2_11-.Ltmp4, $1  }
0xff: {  	_ =	sdelay $0x3  }
.LBB2_6:
0x100: {  	s13 =	sshll.u32 s9, $0x4  }
0x101: {  	v4 =	vld [tilespmem:s13+$0x17430];
	_ =	sdelay $0x2  }
0x102: {  	v2 =	vor.u32 s13, v1  }
0x103: {  	vm0 =	vlt.s32 v2, v0  }
0x104: {  	(xrf1) =	vunique.msk.u32 vm0, v4;
	_ =	sdelay $0xd  }
0x105: {  	_, v2, _ =	vpop (xrf1)  }
0x106: {  	v3 =	vxor.u32 $0x80000000, v2  }
0x107: {  	v5 =	vnsel vm0, $0xC0000000, v3  }
0x108: {  	v3 =	vnsel vm0, $0x40000000, v3;
	(xrf0) =	vmin.scan.msk.u32 $0xffff, v5  }
0x109: {  	(xrf0) =	vmax.scan.msk.u32 $0xffff, v3;
	_ =	sdelay $0x4  }
0x10a: {  	v3, _, _ =	vpop (xrf0)  }
0x10b: {  	(v2sf) =	vpush v3, $0xF;
	v3, _, _ =	vpop (xrf0)  }
0x10c: {  	(v2sf) =	vpush v3, $0xF;
	_ =	sdelay $0xd  }
0x10d: {  	s12 =	spop (v2sf)  }
0x10e: {  	s11 =	spop (v2sf)  }
0x10f: {  	s14 =	sxor.u32 $0x80000000, s12;
	s15 =	sxor.u32 $0x80000000, s11  }
0x110: {  	s14 =	ssub.s32 s15, s14  }
0x111: {  	p0 =	sgt.u32 s14, $0x7FFFFFFE  }
.Ltmp5:
0x112: {  	v3 =	vld [tilespmem:s13+$0x1B440];
	(pc) =	sbr.rel @p0 .LBB2_10-.Ltmp5, $1  }
0x113: {  	_ =	sdelay $0x3  }
0x114: {  	s12 =	sadd.s32 $0xFFFFFFFF, s12  }
0x115: {  	s13 =	sadd.s32 $0x80000001, s12  }
0x116: {  	vm1 =	vgt.s32 v4, $0x0;
	vm2 =	veq.s32 v2, s13  }
0x117: {  	v4 =	vnsel vm1, $0x0, v4;
	vm1 =	vmand vm0, vm2  }
0x118: {  	v4 =	vmin.u32 v4, $0xF423;
	_ =	sdelay $0x2  }
0x119: {  	s12 =	sadd.s32 $0x1, s12  }
0x11a: {  	p0 =	sne.s32 s11, s12  }
.Ltmp6:
0x11b: {  	v5 =	vld.idx.msk [tilespmem:v4+s10+$0x0], vm1;
	(pc) =	sbr.rel @!p0 .LBB2_9-.Ltmp6, $1  }
0x11c: {  	_ =	sdelay $0x3  }
.LBB2_8:
0x11d: {  	s13 =	sadd.s32 $0x80000001, s12;
	s12 =	sadd.s32 $0x1, s12;
	vm2 =	vgt.f32 v3, v5  }
0x11e: {  	vm3 =	veq.s32 v2, s13;
	p0 =	sne.s32 s11, s12;
	vm2 =	vmand vm1, vm2  }
0x11f: {  	vm1 =	vmand vm0, vm3;
	_ =	sdelay $0x1  }
.Ltmp7:
0x120: {  	(pc) =	sbr.rel @p0 .LBB2_8-.Ltmp7, $3  }
0x121: {  	_ =	sdelay $0x1  }
0x122: {  	[tilespmem:v4+s10+$0x0] =	vst.idx.msk vm2, v3  }
0x123: {  	v5 =	vld.idx.msk [tilespmem:v4+s10+$0x0], vm1  }
.Ltmp8:
0x124: {  	_ = 	snop;
	(pc) =	sbr.rel .LBB2_9-.Ltmp8, $1  }
0x125: {  	_ =	sdelay $0x3  }
.LBB2_11:
0x126: {  	s8 =	simm.s32 $0x8080  }
0x127: {  	v0 =	vld [tilespmem:s8+$0xFFFFFF80];
	_ =	sdelay $0x4  }
0x128: {  	s9 =	simm.s32 $0x0;
	vm0 =	vge.f32 v0, $0.0e+00  }
0x129: {  	[tilespmem:s9+$0x1B440] =	vst.msk vm0, v0;
	v0 =	vmpcnt.ones.xlane vm0  }
0x12a: {  	v1 =	vld [tilespmem:s8+$0xFFFFFF90]  }
0x12b: {  	(v2sf) =	vpush v0, $0x0;
	_ =	sdelay $0x3  }
0x12c: {  	vm13 =	vge.f32 v1, $0.0e+00  }
0x12d: {  	v0 =	vmpcnt.ones.xlane vm13;
	_ =	sdelay $0x1  }
0x12e: {  	(v2sf) =	vpush v0, $0x0;
	_ =	sdelay $0x7  }
0x12f: {  	s17 =	spop (v2sf)  }
0x130: {  	s9 =	sadd.s32 $0x0, s17  }
0x131: {  	[tilespmem:s9+$0x1B440] =	vst.msk vm13, v1  }
0x132: {  	v0 =	vld [tilespmem:s8+$0xFFFFFFA0];
	_ =	sdelay $0x3  }
0x133: {  	s10 =	spop (v2sf)  }
0x134: {  	s9 =	sadd.s32 s9, s10;
	vm14 =	vge.f32 v0, $0.0e+00  }
0x135: {  	[tilespmem:s9+$0x1B440] =	vst.msk vm14, v0;
	v0 =	vmpcnt.ones.xlane vm14  }
0x136: {  	v1 =	vld [tilespmem:s8+$0xFFFFFFB0]  }
0x137: {  	(v2sf) =	vpush v0, $0x0;
	_ =	sdelay $0x3  }
0x138: {  	vm15 =	vge.f32 v1, $0.0e+00  }
0x139: {  	v0 =	vmpcnt.ones.xlane vm15;
	_ =	sdelay $0x1  }
0x13a: {  	(v2sf) =	vpush v0, $0x0;
	_ =	sdelay $0x7  }
0x13b: {  	s18 =	spop (v2sf)  }
0x13c: {  	s9 =	sadd.s32 s9, s18  }
0x13d: {  	[tilespmem:s9+$0x1B440] =	vst.msk vm15, v1  }
0x13e: {  	v0 =	vld [tilespmem:s8+$0xFFFFFFC0];
	_ =	sdelay $0x3  }
0x13f: {  	s19 =	spop (v2sf)  }
0x140: {  	s9 =	sadd.s32 s9, s19;
	vm4 =	vge.f32 v0, $0.0e+00  }
0x141: {  	[tilespmem:s9+$0x1B440] =	vst.msk vm4, v0;
	v0 =	vmpcnt.ones.xlane vm4  }
0x142: {  	v1 =	vld [tilespmem:s8+$0xFFFFFFD0]  }
0x143: {  	(v2sf) =	vpush v0, $0x0;
	_ =	sdelay $0x3  }
0x144: {  	vm5 =	vge.f32 v1, $0.0e+00  }
0x145: {  	v0 =	vmpcnt.ones.xlane vm5;
	_ =	sdelay $0x1  }
0x146: {  	(v2sf) =	vpush v0, $0x0;
	_ =	sdelay $0x7  }
0x147: {  	s20 =	spop (v2sf)  }
0x148: {  	s9 =	sadd.s32 s9, s20  }
0x149: {  	[tilespmem:s9+$0x1B440] =	vst.msk vm5, v1  }
0x14a: {  	v0 =	vld [tilespmem:s8+$0xFFFFFFE0];
	_ =	sdelay $0x3  }
0x14b: {  	s21 =	spop (v2sf)  }
0x14c: {  	s9 =	sadd.s32 s9, s21;
	vm6 =	vge.f32 v0, $0.0e+00  }
0x14d: {  	[tilespmem:s9+$0x1B440] =	vst.msk vm6, v0;
	v0 =	vmpcnt.ones.xlane vm6  }
0x14e: {  	v1 =	vld [tilespmem:s8+$0xFFFFFFF0]  }
0x14f: {  	(v2sf) =	vpush v0, $0x0;
	_ =	sdelay $0x3  }
0x150: {  	vm7 =	vge.f32 v1, $0.0e+00  }
0x151: {  	v0 =	vmpcnt.ones.xlane vm7;
	_ =	sdelay $0x1  }
0x152: {  	(v2sf) =	vpush v0, $0x0;
	_ =	sdelay $0x7  }
0x153: {  	s22 =	spop (v2sf)  }
0x154: {  	s9 =	sadd.s32 s9, s22  }
0x155: {  	[tilespmem:s9+$0x1B440] =	vst.msk vm7, v1  }
0x156: {  	v0 =	vld [tilespmem:s8+$0x0];
	_ =	sdelay $0x3  }
0x157: {  	s23 =	spop (v2sf)  }
0x158: {  	s9 =	sadd.s32 s9, s23;
	vm8 =	vge.f32 v0, $0.0e+00  }
0x159: {  	[tilespmem:s9+$0x1B440] =	vst.msk vm8, v0;
	v0 =	vmpcnt.ones.xlane vm8  }
0x15a: {  	v1 =	vld [tilespmem:s8+$0x10]  }
0x15b: {  	(v2sf) =	vpush v0, $0x0;
	_ =	sdelay $0x3  }
0x15c: {  	vm9 =	vge.f32 v1, $0.0e+00  }
0x15d: {  	v0 =	vmpcnt.ones.xlane vm9;
	_ =	sdelay $0x1  }
0x15e: {  	(v2sf) =	vpush v0, $0x0;
	_ =	sdelay $0x7  }
0x15f: {  	s24 =	spop (v2sf)  }
0x160: {  	s9 =	sadd.s32 s9, s24  }
0x161: {  	[tilespmem:s9+$0x1B440] =	vst.msk vm9, v1  }
0x162: {  	v0 =	vld [tilespmem:s8+$0x20];
	_ =	sdelay $0x3  }
0x163: {  	s25 =	spop (v2sf)  }
0x164: {  	s9 =	sadd.s32 s9, s25;
	vm10 =	vge.f32 v0, $0.0e+00  }
0x165: {  	[tilespmem:s9+$0x1B440] =	vst.msk vm10, v0;
	v0 =	vmpcnt.ones.xlane vm10  }
0x166: {  	v1 =	vld [tilespmem:s8+$0x30]  }
0x167: {  	(v2sf) =	vpush v0, $0x0;
	_ =	sdelay $0x3  }
0x168: {  	vm11 =	vge.f32 v1, $0.0e+00  }
0x169: {  	v0 =	vmpcnt.ones.xlane vm11;
	_ =	sdelay $0x1  }
0x16a: {  	(v2sf) =	vpush v0, $0x0;
	_ =	sdelay $0x7  }
0x16b: {  	s26 =	spop (v2sf)  }
0x16c: {  	s9 =	sadd.s32 s9, s26  }
0x16d: {  	[tilespmem:s9+$0x1B440] =	vst.msk vm11, v1  }
0x16e: {  	v0 =	vld [tilespmem:s8+$0x40];
	_ =	sdelay $0x3  }
0x16f: {  	s28 =	spop (v2sf)  }
0x170: {  	s9 =	sadd.s32 s9, s28;
	vm12 =	vge.f32 v0, $0.0e+00  }
0x171: {  	[tilespmem:s9+$0x1B440] =	vst.msk vm12, v0;
	v0 =	vmpcnt.ones.xlane vm12  }
0x172: {  	v1 =	vld [tilespmem:s8+$0x50]  }
0x173: {  	(v2sf) =	vpush v0, $0x0;
	_ =	sdelay $0x3  }
0x174: {  	vm13 =	vge.f32 v1, $0.0e+00  }
0x175: {  	v0 =	vmpcnt.ones.xlane vm13;
	_ =	sdelay $0x1  }
0x176: {  	(v2sf) =	vpush v0, $0x0;
	_ =	sdelay $0x7  }
0x177: {  	s29 =	spop (v2sf)  }
0x178: {  	s9 =	sadd.s32 s9, s29  }
0x179: {  	[tilespmem:s9+$0x1B440] =	vst.msk vm13, v1  }
0x17a: {  	v0 =	vld [tilespmem:s8+$0x60];
	_ =	sdelay $0x3  }
0x17b: {  	s30 =	spop (v2sf)  }
0x17c: {  	s9 =	sadd.s32 s9, s30;
	vm14 =	vge.f32 v0, $0.0e+00  }
0x17d: {  	[tilespmem:s9+$0x1B440] =	vst.msk vm14, v0;
	v1 =	vmpcnt.ones.xlane vm14  }
0x17e: {  	v0 =	vld [tilespmem:s8+$0x70]  }
0x17f: {  	(v2sf) =	vpush v1, $0x0;
	_ =	sdelay $0x3  }
0x180: {  	vm15 =	vge.f32 v0, $0.0e+00  }
0x181: {  	v1 =	vmpcnt.ones.xlane vm15;
	_ =	sdelay $0x1  }
0x182: {  	(v2sf) =	vpush v1, $0x0;
	_ =	sdelay $0x7  }
0x183: {  	s31 =	spop (v2sf)  }
0x184: {  	s9 =	sadd.s32 s9, s31  }
0x185: {  	s4 =	sadd.s32 s4, s7;
	s7 =	simm.s32 $0x8180;
	[tilespmem:s9+$0x1B440] =	vst.msk vm15, v0  }
0x186: {  	v1 =	vld [tilespmem:s7+$0xFFFFFF80];
	_ =	sdelay $0x2  }
0x187: {  	s6 =	sadd.s32 s6, s3  }
0x188: {  	s5 =	sadd.s32 s5, s2;
	s8 =	simm.s32 $0x10;
	v0 =	vmov s1;
	s10 =	spop (v2sf)  }
.LBB2_12:
0x189: {  	s8 =	sadd.s32 $0x10, s8;
	vm0 =	vge.f32 v1, $0.0e+00;
	s9 =	sadd.s32 s9, s10  }
0x18a: {  	p0 =	slt.u32 s8, $0xF30;
	[tilespmem:s9+$0x1B440] =	vst.msk vm0, v1;
	v1 =	vmpcnt.ones.xlane vm0  }
0x18b: {  	v2 =	vld [tilespmem:s7+$0xFFFFFF90]  }
0x18c: {  	(v2sf) =	vpush v1, $0x0;
	_ =	sdelay $0x3  }
0x18d: {  	vm0 =	vge.f32 v2, $0.0e+00  }
0x18e: {  	v1 =	vmpcnt.ones.xlane vm0;
	_ =	sdelay $0x1  }
0x18f: {  	(v2sf) =	vpush v1, $0x0;
	_ =	sdelay $0x7  }
0x190: {  	s10 =	spop (v2sf)  }
0x191: {  	s9 =	sadd.s32 s9, s10  }
0x192: {  	[tilespmem:s9+$0x1B440] =	vst.msk vm0, v2  }
0x193: {  	v1 =	vld [tilespmem:s7+$0xFFFFFFA0];
	_ =	sdelay $0x3  }
0x194: {  	s10 =	spop (v2sf)  }
0x195: {  	s9 =	sadd.s32 s9, s10;
	vm0 =	vge.f32 v1, $0.0e+00  }
0x196: {  	[tilespmem:s9+$0x1B440] =	vst.msk vm0, v1;
	v1 =	vmpcnt.ones.xlane vm0  }
0x197: {  	v2 =	vld [tilespmem:s7+$0xFFFFFFB0]  }
0x198: {  	(v2sf) =	vpush v1, $0x0;
	_ =	sdelay $0x3  }
0x199: {  	vm0 =	vge.f32 v2, $0.0e+00  }
0x19a: {  	v1 =	vmpcnt.ones.xlane vm0;
	_ =	sdelay $0x1  }
0x19b: {  	(v2sf) =	vpush v1, $0x0;
	_ =	sdelay $0x7  }
0x19c: {  	s10 =	spop (v2sf)  }
0x19d: {  	s9 =	sadd.s32 s9, s10  }
0x19e: {  	[tilespmem:s9+$0x1B440] =	vst.msk vm0, v2  }
0x19f: {  	v1 =	vld [tilespmem:s7+$0xFFFFFFC0];
	_ =	sdelay $0x3  }
0x1a0: {  	s10 =	spop (v2sf)  }
0x1a1: {  	s9 =	sadd.s32 s9, s10;
	vm0 =	vge.f32 v1, $0.0e+00  }
0x1a2: {  	[tilespmem:s9+$0x1B440] =	vst.msk vm0, v1;
	v1 =	vmpcnt.ones.xlane vm0  }
0x1a3: {  	v2 =	vld [tilespmem:s7+$0xFFFFFFD0]  }
0x1a4: {  	(v2sf) =	vpush v1, $0x0;
	_ =	sdelay $0x3  }
0x1a5: {  	vm0 =	vge.f32 v2, $0.0e+00  }
0x1a6: {  	v1 =	vmpcnt.ones.xlane vm0;
	_ =	sdelay $0x1  }
0x1a7: {  	(v2sf) =	vpush v1, $0x0;
	_ =	sdelay $0x7  }
0x1a8: {  	s10 =	spop (v2sf)  }
0x1a9: {  	s9 =	sadd.s32 s9, s10  }
0x1aa: {  	[tilespmem:s9+$0x1B440] =	vst.msk vm0, v2  }
0x1ab: {  	v1 =	vld [tilespmem:s7+$0xFFFFFFE0];
	_ =	sdelay $0x3  }
0x1ac: {  	s10 =	spop (v2sf)  }
0x1ad: {  	s9 =	sadd.s32 s9, s10;
	vm0 =	vge.f32 v1, $0.0e+00  }
0x1ae: {  	[tilespmem:s9+$0x1B440] =	vst.msk vm0, v1;
	v1 =	vmpcnt.ones.xlane vm0  }
0x1af: {  	v2 =	vld [tilespmem:s7+$0xFFFFFFF0]  }
0x1b0: {  	(v2sf) =	vpush v1, $0x0;
	_ =	sdelay $0x3  }
0x1b1: {  	vm0 =	vge.f32 v2, $0.0e+00  }
0x1b2: {  	v1 =	vmpcnt.ones.xlane vm0;
	_ =	sdelay $0x1  }
0x1b3: {  	(v2sf) =	vpush v1, $0x0;
	_ =	sdelay $0x7  }
0x1b4: {  	s10 =	spop (v2sf)  }
0x1b5: {  	s9 =	sadd.s32 s9, s10  }
0x1b6: {  	[tilespmem:s9+$0x1B440] =	vst.msk vm0, v2  }
0x1b7: {  	v1 =	vld [tilespmem:s7+$0x0];
	_ =	sdelay $0x3  }
0x1b8: {  	s10 =	spop (v2sf)  }
0x1b9: {  	s9 =	sadd.s32 s9, s10;
	vm0 =	vge.f32 v1, $0.0e+00  }
0x1ba: {  	[tilespmem:s9+$0x1B440] =	vst.msk vm0, v1;
	v1 =	vmpcnt.ones.xlane vm0  }
0x1bb: {  	v2 =	vld [tilespmem:s7+$0x10]  }
0x1bc: {  	(v2sf) =	vpush v1, $0x0;
	_ =	sdelay $0x3  }
0x1bd: {  	vm0 =	vge.f32 v2, $0.0e+00  }
0x1be: {  	v1 =	vmpcnt.ones.xlane vm0;
	_ =	sdelay $0x1  }
0x1bf: {  	(v2sf) =	vpush v1, $0x0;
	_ =	sdelay $0x7  }
0x1c0: {  	s10 =	spop (v2sf)  }
0x1c1: {  	s9 =	sadd.s32 s9, s10  }
0x1c2: {  	[tilespmem:s9+$0x1B440] =	vst.msk vm0, v2  }
0x1c3: {  	v1 =	vld [tilespmem:s7+$0x20];
	_ =	sdelay $0x3  }
0x1c4: {  	s10 =	spop (v2sf)  }
0x1c5: {  	s9 =	sadd.s32 s9, s10;
	vm0 =	vge.f32 v1, $0.0e+00  }
0x1c6: {  	[tilespmem:s9+$0x1B440] =	vst.msk vm0, v1;
	v1 =	vmpcnt.ones.xlane vm0  }
0x1c7: {  	v2 =	vld [tilespmem:s7+$0x30]  }
0x1c8: {  	(v2sf) =	vpush v1, $0x0;
	_ =	sdelay $0x3  }
0x1c9: {  	vm0 =	vge.f32 v2, $0.0e+00  }
0x1ca: {  	v1 =	vmpcnt.ones.xlane vm0;
	_ =	sdelay $0x1  }
0x1cb: {  	(v2sf) =	vpush v1, $0x0;
	_ =	sdelay $0x7  }
0x1cc: {  	s10 =	spop (v2sf)  }
0x1cd: {  	s9 =	sadd.s32 s9, s10  }
0x1ce: {  	[tilespmem:s9+$0x1B440] =	vst.msk vm0, v2  }
0x1cf: {  	v1 =	vld [tilespmem:s7+$0x40];
	_ =	sdelay $0x3  }
0x1d0: {  	s10 =	spop (v2sf)  }
0x1d1: {  	s9 =	sadd.s32 s9, s10;
	vm0 =	vge.f32 v1, $0.0e+00  }
0x1d2: {  	[tilespmem:s9+$0x1B440] =	vst.msk vm0, v1;
	v1 =	vmpcnt.ones.xlane vm0  }
0x1d3: {  	v2 =	vld [tilespmem:s7+$0x50]  }
0x1d4: {  	(v2sf) =	vpush v1, $0x0;
	_ =	sdelay $0x3  }
0x1d5: {  	vm0 =	vge.f32 v2, $0.0e+00  }
0x1d6: {  	v1 =	vmpcnt.ones.xlane vm0;
	_ =	sdelay $0x1  }
0x1d7: {  	(v2sf) =	vpush v1, $0x0;
	_ =	sdelay $0x7  }
0x1d8: {  	s10 =	spop (v2sf)  }
0x1d9: {  	s9 =	sadd.s32 s9, s10  }
0x1da: {  	[tilespmem:s9+$0x1B440] =	vst.msk vm0, v2  }
0x1db: {  	v1 =	vld [tilespmem:s7+$0x60];
	_ =	sdelay $0x3  }
0x1dc: {  	s10 =	spop (v2sf)  }
0x1dd: {  	s9 =	sadd.s32 s9, s10;
	vm0 =	vge.f32 v1, $0.0e+00  }
0x1de: {  	[tilespmem:s9+$0x1B440] =	vst.msk vm0, v1;
	v1 =	vmpcnt.ones.xlane vm0  }
0x1df: {  	v2 =	vld [tilespmem:s7+$0x70]  }
0x1e0: {  	(v2sf) =	vpush v1, $0x0;
	_ =	sdelay $0x3  }
0x1e1: {  	vm0 =	vge.f32 v2, $0.0e+00  }
0x1e2: {  	v1 =	vmpcnt.ones.xlane vm0;
	_ =	sdelay $0x1  }
0x1e3: {  	(v2sf) =	vpush v1, $0x0;
	_ =	sdelay $0x7  }
0x1e4: {  	s10 =	spop (v2sf)  }
0x1e5: {  	s9 =	sadd.s32 s9, s10  }
0x1e6: {  	s7 =	sadd.s32 $0x100, s7;
	[tilespmem:s9+$0x1B440] =	vst.msk vm0, v2  }
.Ltmp9:
0x1e7: {  	v1 =	vld [tilespmem:s7+$0xFFFFFF80];
	(pc) =	sbr.rel @p0 .LBB2_12-.Ltmp9, $2  }
0x1e8: {  	_ =	sdelay $0x2  }
0x1e9: {  	s10 =	spop (v2sf)  }
0x1ea: {  	vm0 =	vge.f32 v1, $0.0e+00  }
0x1eb: {  	v2 =	vmpcnt.ones.xlane vm0;
	_ =	sdelay $0x1  }
0x1ec: {  	(v2sf) =	vpush v2, $0x0;
	_ =	sdelay $0x8  }
0x1ed: {  	s8 =	sadd.s32 s9, s10  }
0x1ee: {  	[tilespmem:s8+$0x1B440] =	vst.msk vm0, v1  }
0x1ef: {  	v1 =	vld [tilespmem:s7+$0xFFFFFF90];
	_ =	sdelay $0x3  }
0x1f0: {  	s26 =	spop (v2sf)  }
0x1f1: {  	vm9 =	vge.f32 v1, $0.0e+00;
	s8 =	sadd.s32 s8, s26  }
0x1f2: {  	v2 =	vmpcnt.ones.xlane vm9;
	[tilespmem:s8+$0x1B440] =	vst.msk vm9, v1  }
0x1f3: {  	v1 =	vld [tilespmem:s7+$0xFFFFFFA0]  }
0x1f4: {  	(v2sf) =	vpush v2, $0x0;
	_ =	sdelay $0x3  }
0x1f5: {  	vm10 =	vge.f32 v1, $0.0e+00  }
0x1f6: {  	v2 =	vmpcnt.ones.xlane vm10;
	_ =	sdelay $0x1  }
0x1f7: {  	(v2sf) =	vpush v2, $0x0;
	_ =	sdelay $0x7  }
0x1f8: {  	s28 =	spop (v2sf)  }
0x1f9: {  	s8 =	sadd.s32 s8, s28  }
0x1fa: {  	[tilespmem:s8+$0x1B440] =	vst.msk vm10, v1  }
0x1fb: {  	v1 =	vld [tilespmem:s7+$0xFFFFFFB0];
	_ =	sdelay $0x3  }
0x1fc: {  	s29 =	spop (v2sf)  }
0x1fd: {  	vm11 =	vge.f32 v1, $0.0e+00;
	s8 =	sadd.s32 s8, s29  }
0x1fe: {  	v2 =	vmpcnt.ones.xlane vm11;
	[tilespmem:s8+$0x1B440] =	vst.msk vm11, v1  }
0x1ff: {  	v1 =	vld [tilespmem:s7+$0xFFFFFFC0]  }
0x200: {  	(v2sf) =	vpush v2, $0x0;
	_ =	sdelay $0x3  }
0x201: {  	vm12 =	vge.f32 v1, $0.0e+00  }
0x202: {  	v2 =	vmpcnt.ones.xlane vm12;
	_ =	sdelay $0x1  }
0x203: {  	(v2sf) =	vpush v2, $0x0;
	_ =	sdelay $0x7  }
0x204: {  	s30 =	spop (v2sf)  }
0x205: {  	s8 =	sadd.s32 s8, s30  }
0x206: {  	[tilespmem:s8+$0x1B440] =	vst.msk vm12, v1  }
0x207: {  	v1 =	vld [tilespmem:s7+$0xFFFFFFD0];
	_ =	sdelay $0x3  }
0x208: {  	s31 =	spop (v2sf)  }
0x209: {  	vm13 =	vge.f32 v1, $0.0e+00;
	s8 =	sadd.s32 s8, s31  }
0x20a: {  	v2 =	vmpcnt.ones.xlane vm13;
	[tilespmem:s8+$0x1B440] =	vst.msk vm13, v1  }
0x20b: {  	v1 =	vld [tilespmem:s7+$0xFFFFFFE0]  }
0x20c: {  	(v2sf) =	vpush v2, $0x0;
	_ =	sdelay $0x3  }
0x20d: {  	vm14 =	vge.f32 v1, $0.0e+00  }
0x20e: {  	v2 =	vmpcnt.ones.xlane vm14;
	_ =	sdelay $0x1  }
0x20f: {  	(v2sf) =	vpush v2, $0x0;
	_ =	sdelay $0x7  }
0x210: {  	s10 =	spop (v2sf)  }
0x211: {  	s8 =	sadd.s32 s8, s10  }
0x212: {  	[tilespmem:s8+$0x1B440] =	vst.msk vm14, v1  }
0x213: {  	v1 =	vld [tilespmem:s7+$0xFFFFFFF0];
	_ =	sdelay $0x3  }
0x214: {  	s11 =	spop (v2sf)  }
0x215: {  	vm15 =	vge.f32 v1, $0.0e+00;
	s8 =	sadd.s32 s8, s11  }
0x216: {  	v2 =	vmpcnt.ones.xlane vm15;
	[tilespmem:s8+$0x1B440] =	vst.msk vm15, v1  }
0x217: {  	v1 =	vld [tilespmem:s7+$0x0]  }
0x218: {  	(v2sf) =	vpush v2, $0x0;
	_ =	sdelay $0x3  }
0x219: {  	vm4 =	vge.f32 v1, $0.0e+00  }
0x21a: {  	v2 =	vmpcnt.ones.xlane vm4;
	_ =	sdelay $0x1  }
0x21b: {  	(v2sf) =	vpush v2, $0x0;
	_ =	sdelay $0x7  }
0x21c: {  	s12 =	spop (v2sf)  }
0x21d: {  	s8 =	sadd.s32 s8, s12  }
0x21e: {  	[tilespmem:s8+$0x1B440] =	vst.msk vm4, v1  }
0x21f: {  	v1 =	vld [tilespmem:s7+$0x10];
	_ =	sdelay $0x3  }
0x220: {  	s13 =	spop (v2sf)  }
0x221: {  	vm5 =	vge.f32 v1, $0.0e+00;
	s8 =	sadd.s32 s8, s13  }
0x222: {  	v2 =	vmpcnt.ones.xlane vm5;
	[tilespmem:s8+$0x1B440] =	vst.msk vm5, v1  }
0x223: {  	v1 =	vld [tilespmem:s7+$0x20]  }
0x224: {  	(v2sf) =	vpush v2, $0x0;
	_ =	sdelay $0x3  }
0x225: {  	vm6 =	vge.f32 v1, $0.0e+00  }
0x226: {  	v2 =	vmpcnt.ones.xlane vm6;
	_ =	sdelay $0x1  }
0x227: {  	(v2sf) =	vpush v2, $0x0;
	_ =	sdelay $0x7  }
0x228: {  	s14 =	spop (v2sf)  }
0x229: {  	s8 =	sadd.s32 s8, s14  }
0x22a: {  	[tilespmem:s8+$0x1B440] =	vst.msk vm6, v1  }
0x22b: {  	v1 =	vld [tilespmem:s7+$0x30];
	_ =	sdelay $0x3  }
0x22c: {  	s15 =	spop (v2sf)  }
0x22d: {  	vm7 =	vge.f32 v1, $0.0e+00;
	s8 =	sadd.s32 s8, s15  }
0x22e: {  	v2 =	vmpcnt.ones.xlane vm7;
	[tilespmem:s8+$0x1B440] =	vst.msk vm7, v1  }
0x22f: {  	v1 =	vld [tilespmem:s7+$0x40]  }
0x230: {  	(v2sf) =	vpush v2, $0x0;
	_ =	sdelay $0x3  }
0x231: {  	vm8 =	vge.f32 v1, $0.0e+00  }
0x232: {  	v2 =	vmpcnt.ones.xlane vm8;
	_ =	sdelay $0x1  }
0x233: {  	(v2sf) =	vpush v2, $0x0;
	_ =	sdelay $0x7  }
0x234: {  	s16 =	spop (v2sf)  }
0x235: {  	s8 =	sadd.s32 s8, s16  }
0x236: {  	[tilespmem:s8+$0x1B440] =	vst.msk vm8, v1  }
0x237: {  	v1 =	vld [tilespmem:s7+$0x50];
	_ =	sdelay $0x3  }
0x238: {  	s17 =	spop (v2sf)  }
0x239: {  	vm9 =	vge.f32 v1, $0.0e+00;
	s8 =	sadd.s32 s8, s17  }
0x23a: {  	v2 =	vmpcnt.ones.xlane vm9;
	[tilespmem:s8+$0x1B440] =	vst.msk vm9, v1  }
0x23b: {  	v1 =	vld [tilespmem:s7+$0x60]  }
0x23c: {  	(v2sf) =	vpush v2, $0x0;
	_ =	sdelay $0x3  }
0x23d: {  	vm10 =	vge.f32 v1, $0.0e+00  }
0x23e: {  	v2 =	vmpcnt.ones.xlane vm10;
	_ =	sdelay $0x1  }
0x23f: {  	(v2sf) =	vpush v2, $0x0;
	_ =	sdelay $0x7  }
0x240: {  	s18 =	spop (v2sf)  }
0x241: {  	s8 =	sadd.s32 s8, s18  }
0x242: {  	[tilespmem:s8+$0x1B440] =	vst.msk vm10, v1  }
0x243: {  	v1 =	vld [tilespmem:s7+$0x70];
	_ =	sdelay $0x3  }
0x244: {  	s19 =	spop (v2sf)  }
0x245: {  	vm11 =	vge.f32 v1, $0.0e+00;
	s7 =	sadd.s32 s8, s19  }
0x246: {  	v2 =	vmpcnt.ones.xlane vm11;
	[tilespmem:s7+$0x1B440] =	vst.msk vm11, v1  }
0x247: {  	v1 =	vld [tilespmem:$0x17400]  }
0x248: {  	(v2sf) =	vpush v2, $0x0;
	_ =	sdelay $0x3  }
0x249: {  	vm12 =	vge.f32 v1, $0.0e+00  }
0x24a: {  	v2 =	vmpcnt.ones.xlane vm12;
	_ =	sdelay $0x1  }
0x24b: {  	(v2sf) =	vpush v2, $0x0;
	_ =	sdelay $0x7  }
0x24c: {  	s20 =	spop (v2sf)  }
0x24d: {  	s7 =	sadd.s32 s7, s20  }
0x24e: {  	[tilespmem:s7+$0x1B440] =	vst.msk vm12, v1  }
0x24f: {  	v1 =	vld [tilespmem:$0x17410];
	_ =	sdelay $0x3  }
0x250: {  	s21 =	spop (v2sf)  }
0x251: {  	vm13 =	vge.f32 v1, $0.0e+00;
	s7 =	sadd.s32 s7, s21  }
0x252: {  	[tilespmem:s7+$0x1B440] =	vst.msk vm13, v1  }
0x253: {  	v1 =	vld [tilespmem:$0x17420];
	_ =	sdelay $0x4  }
0x254: {  	v2 =	vmpcnt.ones.xlane vm13;
	vm14 =	vge.f32 v1, $0.0e+00  }
0x255: {  	v3 =	vmpcnt.ones.xlane vm14  }
0x256: {  	(v2sf) =	vpush v2, $0x0  }
0x257: {  	(v2sf) =	vpush v3, $0x0;
	_ =	sdelay $0xd  }
0x258: {  	s22 =	spop (v2sf)  }
0x259: {  	s7 =	sadd.s32 s7, s22;
	s23 =	spop (v2sf)  }
0x25a: {  	s8 =	sadd.s32 s7, s23  }
0x25b: {  	[tilespmem:s7+$0x1B440] =	vst.msk vm14, v1;
	v1 =	vmov s8  }
0x25c: {  	s24 =	simm.s32 $0x1F450;
	s25 =	simm.s32 $0x3;
	[tilespmem:$0x1F450] =	vst v1  }
0x25d: {  	[spmem:s6] =	stream.linear.scatter [tilespmem:s24], [sflag:$0x3], $0x10, $0x38;
	[tilespmem:$0x1F990] =	vst v63  }
0x25e: {  	_ =	swait.ge [sflag:s25], $0x10  }
0x25f: {  	v2 =	vlaneseq.u32;
	[sflag:s25] =	ssyncset.done $0x0  }
0x260: {  	v3 =	vmul.u32 $0x10, v2;
	[sflag:s25] =	ssyncadd.s32 $0xFFFFFFF0  }
0x261: {  	s26 =	simm.s32 $0x1F460;
	[bflag:$0x0] =	sbarrier.arrive $0xFFFF  }
0x262: {  	[tilespmem:s26], [sflag:$0x3] =	stream.linear.gather [spmem:s3], $0x100, $0x38;
	[tilespmem:$0x1F990] =	vst v63  }
0x263: {  	_ =	swait.ge [sflag:s25], $0x100  }
0x264: {  	[sflag:s25] =	ssyncset.done $0x0  }
0x265: {  	[sflag:s25] =	ssyncadd.s32 $0xFFFFFF00  }
0x266: {  	v3 =	vld.idx.msk [tilespmem:v3+s26+$0x0], $0xffff;
	_ =	sdelay $0x3  }
0x267: {  	vm15 =	vgt.u32 v0, v2  }
0x268: {  	v0 =	vnsel vm15, $0x0, v3  }
0x269: {  	(xrf0) =	vadd.scan.msk.s32 $0xffff, v0  }
0x26a: {  	(xrf0) =	vadd.scan.msk.s32 $0xffff, v3;
	_ =	sdelay $0x4  }
0x26b: {  	v0, _, _ =	vpop (xrf0)  }
0x26c: {  	(v2sf) =	vpush v0, $0xF;
	v0, _, _ =	vpop (xrf0)  }
0x26d: {  	(v2sf) =	vpush v0, $0xF;
	_ =	sdelay $0x2  }
0x26e: {  	s28 =	sadd.s32 $0xF, s8  }
0x26f: {  	s29 =	sand.u32 $0xF, s28  }
0x270: {  	s30 =	sshra.s32 s28, $0x1F;
	p0 =	slt.s32 s28, $0x1;
	p1 =	sne.s32 s29, $0x0  }
0x271: {  	s31 =	sshrl.u32 s30, $0x1C;
	p0 =	por !p0, !p1  }
0x272: {  	s6 =	simm.s32 $0x1;
	p0 =	por !p0, !p0;
	s3 =	sadd.s32 s31, s28  }
0x273: {  	s6 =	simm.s32 @!p0 $0x0;
	s3 =	sshra.s32 s3, $0x4  }
0x274: {  	s7 =	ssub.s32 s3, s6  }
0x275: {  	p0 =	slt.s32 s7, $0x1  }
.Ltmp10:
0x276: {  	_ = 	snop;
	(pc) =	sbr.rel @p0 .LBB2_19-.Ltmp10, $3  }
0x277: {  	_ =	sdelay $0x1  }
0x278: {  	s8 =	spop (v2sf)  }
0x279: {  	s3 =	simm.s32 $0x1;
	s6 =	spop (v2sf)  }
0x27a: {  	s9 =	simm.s32 $0x0  }
0x27b: {  	s10 =	sadd.s32 $0x0, s8;
	p0 =	sne.s32 s7, $0x1;
	v3 =	vor.u32 s9, v2  }
.Ltmp11:
0x27c: {  	v0 =	vor.u32 $0x4000, v2;
	v4 =	vadd.s32 s10, v2;
	vm1 =	vlt.s32 v3, v1;
	(pc) =	sbr.rel @!p0 .LBB2_16-.Ltmp11, $2  }
0x27d: {  	v3 =	vsel vm1, v4, v0;
	_ =	sdelay $0x2  }
0x27e: {  	vm0 =	vmmov $0xffff;
	s11 =	simm.s32 $0x10;
	s9 =	simm.s32 $0x1B440;
	s10 =	sadd.s32 $0xFFFFFFFF, s7  }
.LBB2_15:
0x27f: {  	s12 =	sadd.s32 s11, s8;
	v4 =	vor.u32 s11, v2;
	p1 =	sne.s32 s10, $0x1;
	s10 =	sadd.s32 $0xFFFFFFFF, s10  }
0x280: {  	[spmem:s2] =	stream.indirect_vreg.scatter [tilespmem:s9], [sflag:$0x2], $0x1, v3, vm0, $0xb8;
	[tilespmem:$0x1F990] =	vst v63  }
.Ltmp12:
0x281: {  	v5 =	vadd.s32 s12, v2;
	vm1 =	vlt.s32 v4, v1;
	(pc) =	sbr.rel @p1 .LBB2_15-.Ltmp12, $2  }
0x282: {  	v3 =	vsel vm1, v5, v0;
	_ =	sdelay $0x2  }
0x283: {  	s11 =	sadd.s32 $0x10, s11;
	s9 =	sadd.s32 $0x10, s9  }
.LBB2_16:
0x284: {  	_ =	sdelay $0x2  }
.Ltmp13:
0x285: {  	_ = 	snop;
	(pc) =	sbr.rel @!p0 .LBB2_18-.Ltmp13, $4  }
0x286: {  	[spmem:s2] =	stream.indirect_vreg.scatter [tilespmem:s9], [sflag:$0x2], $0x1, v3, vm0, $0xb8;
	[tilespmem:$0x1F990] =	vst v63  }
0x287: {  	s8 =	simm.s32 $0x2  }
0x288: {  	_ =	swait.ge [sflag:s8], $0x10  }
0x289: {  	s7 =	sadd.s32 $0xFFFFFFFF, s7;
	[sflag:s8] =	ssyncset.done $0x0  }
.LBB2_17:
0x28a: {  	p0 =	sne.s32 s7, $0x1;
	s7 =	sadd.s32 $0xFFFFFFFF, s7;
	[sflag:s8] =	ssyncadd.s32 $0xFFFFFFF0  }
.Ltmp14:
0x28b: {  	(pc) =	sbr.rel @p0 .LBB2_17-.Ltmp14, $3  }
0x28c: {  	_ =	sdelay $0x1  }
0x28d: {  	_ =	swait.ge [sflag:s8], $0x10  }
0x28e: {  	[sflag:s8] =	ssyncset.done $0x0  }
.LBB2_18:
0x28f: {  	[sflag:s8] =	ssyncadd.s32 $0xFFFFFFF0  }
.LBB2_19:
0x290: {  	s7 =	ssub.s32 $0x410F, s6;
	p0 =	sne.s32 s6, $0x410F;
	s8 =	simm.s32 $0x1  }
0x291: {  	s9 =	sshra.s32 s7, $0x1F;
	s8 =	simm.s32 @!p0 $0x0  }
0x292: {  	s10 =	sand.u32 $0xF, s7;
	s8 =	sor.u32 s8, s9  }
0x293: {  	p1 =	sne.s32 s10, $0x0;
	p4 =	sne.s32 s8, $0x1  }
0x294: {  	s28 =	sshrl.u32 s9, $0x1C;
	p0 =	por !p1, !p4  }
0x295: {  	s7 =	sadd.s32 s28, s7;
	s8 =	simm.s32 $0x1;
	p0 =	por !p0, !p0  }
0x296: {  	s7 =	sshra.s32 s7, $0x4;
	s8 =	simm.s32 @!p0 $0x0  }
0x297: {  	s7 =	ssub.s32 s7, s8  }
0x298: {  	s8 =	smul.u32 s1, s7;
	_ =	sdelay $0x1  }
0x299: {  	s6 =	sadd.s32 s6, s8  }
0x29a: {  	s7 =	sadd.s32 s7, s6  }
0x29b: {  	p0 =	slt.s32 s7, $0x4100  }
0x29c: {  	s7 =	simm.s32 @!p0 $0x4100  }
0x29d: {  	s8 =	ssub.s32 s7, s6  }
0x29e: {  	s8 =	sadd.s32 $0xF, s8  }
0x29f: {  	s29 =	sand.u32 $0xF, s8  }
0x2a0: {  	s30 =	sshra.s32 s8, $0x1F;
	p5 =	slt.s32 s8, $0x1;
	p6 =	sne.s32 s29, $0x0  }
0x2a1: {  	s31 =	sshrl.u32 s30, $0x1C;
	p0 =	por !p5, !p6  }
0x2a2: {  	s8 =	sadd.s32 s31, s8;
	p0 =	por !p0, !p0  }
0x2a3: {  	s8 =	sshra.s32 s8, $0x4;
	s3 =	simm.s32 @!p0 $0x0  }
0x2a4: {  	s3 =	ssub.s32 s8, s3  }
0x2a5: {  	p0 =	slt.s32 s3, $0x1  }
.Ltmp15:
0x2a6: {  	_ = 	snop;
	(pc) =	sbr.rel @p0 .LBB2_25-.Ltmp15, $3  }
0x2a7: {  	_ =	sdelay $0x1  }
0x2a8: {  	v0 =	vimm.f32 $0.0e+00  }
0x2a9: {  	[tilespmem:$0x1F560] =	vst v0  }
0x2aa: {  	v0 =	vlaneseq.u32  }
0x2ab: {  	v1 =	vmov s7;
	p0 =	sne.s32 s3, $0x1;
	v3 =	vadd.s32 s6, v0  }
.Ltmp16:
0x2ac: {  	v2 =	vor.u32 $0x4000, v0;
	vm1 =	vlt.s32 v3, v1;
	(pc) =	sbr.rel @!p0 .LBB2_22-.Ltmp16, $2  }
0x2ad: {  	v3 =	vsel vm1, v3, v2;
	_ =	sdelay $0x2  }
0x2ae: {  	vm0 =	vmmov $0xffff;
	s7 =	simm.s32 $0x1F560;
	s8 =	sadd.s32 $0xFFFFFFFF, s3;
	s6 =	sadd.s32 $0x10, s6  }
.LBB2_21:
0x2af: {  	v4 =	vadd.s32 s6, v0;
	p1 =	sne.s32 s8, $0x1;
	s8 =	sadd.s32 $0xFFFFFFFF, s8  }
0x2b0: {  	[spmem:s2] =	stream.indirect_vreg.scatter [tilespmem:s7], [sflag:$0x2], $0x1, v3, vm0, $0xb8;
	[tilespmem:$0x1F990] =	vst v63  }
.Ltmp17:
0x2b1: {  	vm1 =	vlt.s32 v4, v1;
	(pc) =	sbr.rel @p1 .LBB2_21-.Ltmp17, $2  }
0x2b2: {  	v3 =	vsel vm1, v4, v2;
	_ =	sdelay $0x2  }
0x2b3: {  	s6 =	sadd.s32 $0x10, s6  }
.LBB2_22:
0x2b4: {  	_ =	sdelay $0x2  }
.Ltmp18:
0x2b5: {  	_ = 	snop;
	(pc) =	sbr.rel @!p0 .LBB2_24-.Ltmp18, $4  }
0x2b6: {  	[spmem:s2] =	stream.indirect_vreg.scatter [tilespmem:s7], [sflag:$0x2], $0x1, v3, vm0, $0xb8;
	[tilespmem:$0x1F990] =	vst v63  }
0x2b7: {  	s2 =	simm.s32 $0x2  }
0x2b8: {  	_ =	swait.ge [sflag:s2], $0x10  }
0x2b9: {  	s3 =	sadd.s32 $0xFFFFFFFF, s3;
	[sflag:s2] =	ssyncset.done $0x0  }
.LBB2_23:
0x2ba: {  	p0 =	sne.s32 s3, $0x1;
	s3 =	sadd.s32 $0xFFFFFFFF, s3;
	[sflag:s2] =	ssyncadd.s32 $0xFFFFFFF0  }
.Ltmp19:
0x2bb: {  	(pc) =	sbr.rel @p0 .LBB2_23-.Ltmp19, $3  }
0x2bc: {  	_ =	sdelay $0x1  }
0x2bd: {  	_ =	swait.ge [sflag:s2], $0x10  }
0x2be: {  	[sflag:s2] =	ssyncset.done $0x0  }
.LBB2_24:
0x2bf: {  	[sflag:s2] =	ssyncadd.s32 $0xFFFFFFF0  }
.LBB2_25:
0x2c0: {  	s2 =	sshll.u32 s1, $0x6;
	[bflag:$0x0] =	sbarrier.arrive $0xFFFF  }
0x2c1: {  	s3 =	sshrl.u32 s5, $0x3;
	s31 =	simm.s32 $0x3;
	s2 =	sor.u32 $0x1C03, s2  }
0x2c2: {  	[hbm:s4], [sflag:s2] =	dma.local [spmem:s3], $0x82  }
0x2c3: {  	_ =	swait.ge [sflag:s31], $0x82  }
0x2c4: {  	[sflag:s31] =	ssyncset.done $0x0  }
0x2c5: {  	[sflag:s31] =	ssyncadd.s32 $0xFFFFFF7E  }
0x2c6: {  	_ =	sfence.sel $0x180000  }
0x2c7: {  	[bflag:$0x0] =	sbarrier.arrive $0xFFFF  }
0x2c8: {  	p0 =	sne.s32 s1, $0x0;
	_ =	strace $0x90000047  }
0x2c9: {  	s0 =	sadd.s32 @!p0 $0x100000, s0;
	[bflag:$0x2] =	sbarrier.arrive $0xFFFF  }
0x2ca: {  	[sflag:s0] =	ssyncadd.tile.s32 @!p0 $0x1;
	_ =	shalt  }
.Lfunc_end2:
_tile_overlayer_lowered:
.L_overlay_start_2:
0x2cb: {  	(tag) =	ssettag $0x2  }
0x2cc: {  	s0 =	rddreg [dreg:$0x0];
	s2 =	stileid.u32  }
0x2cd: {  	s1 =	rddreg [dreg:$0x1];
	p0 =	sne.s32 s2, $0x0  }
0x2ce: {  	s3 =	rddreg [dreg:$0x2];
	[bflag:$0x3] =	sbarrier.arrive $0xFFFF;
	s2 =	simm.s32 @!p0 $0x1C03  }
0x2cf: {  	[timem:s3], [sflag:s2] =	dma.local @!p0 [hbm:s0], s1  }
0x2d0: {  	s0 =	simm.s32 @!p0 $0x3  }
0x2d1: {  	_ =	swait.ge @!p0 [sflag:s0], s1  }
0x2d2: {  	s1 =	ssub.s32 @!p0 $0x0, s1;
	[sflag:s0] =	ssyncset.done @!p0 $0x0  }
0x2d3: {  	[sflag:s0] =	ssyncadd.s32 @!p0 s1  }
0x2d4: {  	[bflag:$0x3] =	sbarrier.arrive $0xFFFF  }
0x2d5: {  	_ =	shalt  }

</sc_bundles>
